<compile_context>
chip_gen: v7x
topology: tpu7x:2x2x1
jax: 0.10.2.dev20260603
libtpu: 0.0.44.dev20260713+nightly
codegen_flags: <defaults>
</compile_context>

<pallas_src>
import functools

import jax
import jax.numpy as jnp
from jax import lax
from jax.experimental import pallas as pl
from jax.experimental.pallas import tpu as pltpu
from jax.experimental.pallas import tpu_sc as plsc

B = 8
N = 20000
FIGSIZE = 640.0
CONF_THRESH = 0.2
NEG = -1e30

NW = 32
UNITS = 157
ROUNDS = 5

_mesh = plsc.VectorSubcoreMesh(core_axis_name="c", subcore_axis_name="s")


@functools.partial(
    pl.kernel,
    mesh=_mesh,
    out_type=jax.ShapeDtypeStruct((NW, 16), jnp.float32),
    compiler_params=pltpu.CompilerParams(needs_layout_passes=False,
                                         skip_device_barrier=True),
    scratch_types=[
        pltpu.VMEM((7, B, 128), jnp.float32),
        pltpu.VMEM((7, B, 128), jnp.float32),
        pltpu.VMEM((B * 16,), jnp.float32),
        pltpu.VMEM((16,), jnp.float32),
        pltpu.VMEM((4 * B,), jnp.float32),
        pltpu.VMEM((16,), jnp.float32),
        pltpu.VMEM((B * 5 * 16,), jnp.float32),
        pltpu.SemaphoreType.DMA,
        pltpu.SemaphoreType.DMA,
    ],
)
def _sc_partial_max(boxes_hbm, gt_hbm, thr_hbm, out_hbm, buf0, buf1, mres,
                    res_v, gt_s, thr_s, parm, sem0, sem1):
    wid = lax.axis_index("c") * 16 + lax.axis_index("s")

    pltpu.sync_copy(gt_hbm, gt_s)
    pltpu.sync_copy(thr_hbm, thr_s)

    lane = lax.iota(jnp.int32, 16)
    neg_vec = jnp.full((16,), NEG, jnp.float32)

    thrv = thr_s[...]
    g_lo = gt_s[pl.ds(0, 16)]
    g_hi = gt_s[pl.ds(16, 16)]
    for b in range(B):
        gx1 = g_lo[b]
        gy1 = g_lo[B + b]
        gx2 = g_hi[b]
        gy2 = g_hi[B + b]
        parm[pl.ds((b * 5 + 0) * 16, 16)] = jnp.full((16,), gx1, jnp.float32)
        parm[pl.ds((b * 5 + 1) * 16, 16)] = jnp.full((16,), gy1, jnp.float32)
        parm[pl.ds((b * 5 + 2) * 16, 16)] = jnp.full((16,), gx2, jnp.float32)
        parm[pl.ds((b * 5 + 3) * 16, 16)] = jnp.full((16,), gy2, jnp.float32)
        parm[pl.ds((b * 5 + 4) * 16, 16)] = jnp.full(
            (16,), (gx2 - gx1) * (gy2 - gy1), jnp.float32)

    def unit_start(i):
        return pl.multiple_of(jnp.minimum(NW * i + wid, UNITS - 1) * 128, 128)

    for b in range(B):
        mres[pl.ds(b * 16, 16)] = neg_vec

    handles = {0: pltpu.async_copy(
        boxes_hbm.at[:, :, pl.ds(unit_start(0), 128)], buf0, sem0)}
    for i in range(ROUNDS):
        cur = buf0 if i % 2 == 0 else buf1
        if i + 1 < ROUNDS:
            nbuf = buf1 if i % 2 == 0 else buf0
            nsem = sem1 if i % 2 == 0 else sem0
            handles[i + 1] = pltpu.async_copy(
                boxes_hbm.at[:, :, pl.ds(unit_start(i + 1), 128)], nbuf, nsem)
        handles[i].wait()
        colbase = lane + unit_start(i)

        def bbody(b, _):
            p0 = b * 80
            gx1 = parm[pl.ds(p0, 16)]
            gy1 = parm[pl.ds(p0 + 16, 16)]
            gx2 = parm[pl.ds(p0 + 32, 16)]
            gy2 = parm[pl.ds(p0 + 48, 16)]
            area2 = parm[pl.ds(p0 + 64, 16)]
            thr = thrv

            def kbody(k, macc):
                s = k * 16
                cx = cur[0, b, pl.ds(s, 16)]
                cy = cur[1, b, pl.ds(s, 16)]
                bw = cur[2, b, pl.ds(s, 16)]
                bh = cur[3, b, pl.ds(s, 16)]
                conf = cur[4, b, pl.ds(s, 16)]
                cls_f = cur[6, b, pl.ds(s, 16)]
                x1 = (cx - bw / 2.0) * FIGSIZE
                y1 = (cy - bh / 2.0) * FIGSIZE
                x2 = (cx + bw / 2.0) * FIGSIZE
                y2 = (cy + bh / 2.0) * FIGSIZE
                ix1 = jnp.maximum(x1, gx1)
                iy1 = jnp.maximum(y1, gy1)
                ix2 = jnp.minimum(x2, gx2)
                iy2 = jnp.minimum(y2, gy2)
                inter = (jnp.maximum(ix2 - ix1, 0.0)
                         * jnp.maximum(iy2 - iy1, 0.0))
                area1 = (x2 - x1) * (y2 - y1)
                union = area1 + area2 - inter
                valid = ((conf > CONF_THRESH) & (inter >= thr * union)
                         & (cls_f.astype(jnp.int32) == 0)
                         & (colbase + s < N))
                return jnp.maximum(macc, jnp.where(valid, conf, NEG))

            mres[pl.ds(b * 16, 16)] = lax.fori_loop(
                0, 8, kbody, mres[pl.ds(b * 16, 16)])
            return 0

        lax.fori_loop(0, B, bbody, 0)

    res = neg_vec
    for b in range(B):
        res = jnp.where(lane == b, jnp.max(mres[pl.ds(b * 16, 16)]), res)
    res_v[...] = res
    pltpu.sync_copy(res_v, out_hbm.at[wid])


def kernel(boxes, gt, iou_thresh):
    boxes_t = jnp.transpose(boxes, (2, 0, 1))
    gt_t = gt.T.reshape(4 * B)
    thr1 = jnp.broadcast_to(jnp.asarray(iou_thresh, jnp.float32), (16,))
    partials = _sc_partial_max(boxes_t, gt_t, thr1)
    mx = jnp.max(partials, axis=0)[:B]
    chosen = jnp.where(mx > NEG, mx, 0.0)
    return jnp.mean(chosen), chosen

# --- scband reference (transcript-rebuilt; emitter-appended) ---
"""Pipeline reference for scband-yolov5-max-prob-extractor-55783035240525 (READ-ONLY COPY).

The authoritative reference and input builder live on the scoring server;
editing this copy changes nothing except your own understanding.
"""

import jax, jax.numpy as jnp
import numpy as np

B = 8
N = 20000
FIGSIZE = 640.0
NUM_CLS = 80
CONF_THRESH = 0.2
ATTACK_CLS = 0


def setup_inputs(seed: int = 0) -> dict:
    key = jax.random.key(seed)
    k1, k2, k3, k4, k5, k6, k7 = jax.random.split(key, 7)
    # decoded YOLOv5 boxes: (cx, cy, w, h) in normalized [0,1] coords, conf, cls_prob, cls_idx
    centers = jax.random.uniform(k1, (B, N, 2), dtype=jnp.float32)
    sizes = jax.random.uniform(k2, (B, N, 2), dtype=jnp.float32, minval=0.02, maxval=0.35)
    conf = jax.random.uniform(k3, (B, N, 1), dtype=jnp.float32)
    cls_prob = jax.random.uniform(k4, (B, N, 1), dtype=jnp.float32)
    cls_idx = jax.random.randint(k5, (B, N, 1), 0, NUM_CLS).astype(jnp.float32)
    boxes = jnp.concatenate([centers, sizes, conf, cls_prob, cls_idx], axis=-1)
    # ground-truth box per image in pixel coords (x1, y1, x2, y2)
    gxy = jax.random.uniform(k6, (B, 2), dtype=jnp.float32, minval=0.25 * FIGSIZE, maxval=0.75 * FIGSIZE)
    gwh = jax.random.uniform(k7, (B, 2), dtype=jnp.float32, minval=0.15 * FIGSIZE, maxval=0.45 * FIGSIZE)
    gt = jnp.concatenate([gxy - gwh / 2.0, gxy + gwh / 2.0], axis=-1)
    return {"boxes": boxes, "gt": gt, "iou_thresh": 0.1}


def _compute(boxes, gt, iou_thresh):
    w_center = boxes[..., 0]
    h_center = boxes[..., 1]
    w_width = boxes[..., 2]
    h_height = boxes[..., 3]
    conf = boxes[..., 4]
    cls_idx = boxes[..., 6].astype(jnp.int32)
    x1 = (w_center - w_width / 2.0) * FIGSIZE
    y1 = (h_center - h_height / 2.0) * FIGSIZE
    x2 = (w_center + w_width / 2.0) * FIGSIZE
    y2 = (h_center + h_height / 2.0) * FIGSIZE
    g = gt[:, None, :]  # [B, 1, 4]
    ix1 = jnp.maximum(x1, g[..., 0])
    iy1 = jnp.maximum(y1, g[..., 1])
    ix2 = jnp.minimum(x2, g[..., 2])
    iy2 = jnp.minimum(y2, g[..., 3])
    inter = jnp.clip(ix2 - ix1, 0.0) * jnp.clip(iy2 - iy1, 0.0)
    area1 = (x2 - x1) * (y2 - y1)
    area2 = (g[..., 2] - g[..., 0]) * (g[..., 3] - g[..., 1])
    ious = inter / (area1 + area2 - inter)
    # get_region_boxes_general conf_thresh=0.2 filter + iou + attack-class mask
    valid = (conf > CONF_THRESH) & (ious >= iou_thresh) & (cls_idx == ATTACK_CLS)
    masked_conf = jnp.where(valid, conf, -1e30)
    mx = jnp.max(masked_conf, axis=1)  # [B]
    has_valid = jnp.any(valid, axis=1)
    chosen = jnp.where(has_valid, mx, 0.0)  # loss_type == 'max_iou' branch
    det_loss = jnp.mean(chosen)
    max_probs = chosen
    return det_loss, max_probs


def reference(boxes, gt, iou_thresh):
    return _compute(boxes, gt, iou_thresh)

if __name__ == "__main__":
    import jax
    _d = setup_inputs()
    print(jax.jit(kernel)(*tuple(_d.values())))

</pallas_src>

<mosaic_0001>
#map = affine_map<(d0, d1) -> (0, 0, 0)>
#map1 = affine_map<(d0, d1) -> (0)>
#map2 = affine_map<(d0, d1) -> (0, 0)>
module attributes {stable_mosaic.version = 14 : i64} {
  func.func @_sc_partial_max(%arg0: i32, %arg1: i32, %arg2: memref<7x8x20000xf32, #tpu.memory_space<hbm>>, %arg3: memref<32xf32, #tpu.memory_space<hbm>>, %arg4: memref<16xf32, #tpu.memory_space<hbm>>, %arg5: memref<32x16xf32, #tpu.memory_space<hbm>>, %arg6: memref<7x8x128xf32, #tpu.memory_space<vmem>>, %arg7: memref<7x8x128xf32, #tpu.memory_space<vmem>>, %arg8: memref<128xf32, #tpu.memory_space<vmem>>, %arg9: memref<16xf32, #tpu.memory_space<vmem>>, %arg10: memref<32xf32, #tpu.memory_space<vmem>>, %arg11: memref<16xf32, #tpu.memory_space<vmem>>, %arg12: memref<640xf32, #tpu.memory_space<vmem>>, %arg13: memref<!tpu.dma_semaphore, #tpu.memory_space<semaphore_mem>>, %arg14: memref<!tpu.dma_semaphore, #tpu.memory_space<semaphore_mem>>) attributes {dimension_semantics = [#tpu.dimension_semantics<core_parallel>, #tpu.dimension_semantics<subcore_parallel>], iteration_bounds = array<i64: 2, 16>, scalar_prefetch = 0 : i64, scratch_operands = 9 : i64, tpu.core_type = #tpu.core_type<sc_vector_subcore>, window_params = [{transform_indices = #map}, {transform_indices = #map1}, {transform_indices = #map1}, {transform_indices = #map2}]} {
    %mul3A = arith.constant 16 : i32
    %mul3A_0 = arith.muli %arg0, %mul3A : i32
    %add3A = arith.addi %mul3A_0, %arg1 : i32
    "tpu.region"() ({
      %run_scoped3A = tpu.sem_alloc : memref<!tpu.dma_semaphore, #tpu.memory_space<semaphore_mem>>
      tpu.enqueue_dma source(%arg3 : memref<32xf32, #tpu.memory_space<hbm>>) target(%arg10 : memref<32xf32, #tpu.memory_space<vmem>>) target_semaphore(%run_scoped3A : memref<!tpu.dma_semaphore, #tpu.memory_space<semaphore_mem>>)
      tpu.wait_dma2 semaphore(%run_scoped3A : memref<!tpu.dma_semaphore, #tpu.memory_space<semaphore_mem>>) src(%arg3 : memref<32xf32, #tpu.memory_space<hbm>>) dst(%arg10 : memref<32xf32, #tpu.memory_space<vmem>>)
      tpu.yield
    }) : () -> ()
    "tpu.region"() ({
      %run_scoped3A = tpu.sem_alloc : memref<!tpu.dma_semaphore, #tpu.memory_space<semaphore_mem>>
      tpu.enqueue_dma source(%arg4 : memref<16xf32, #tpu.memory_space<hbm>>) target(%arg11 : memref<16xf32, #tpu.memory_space<vmem>>) target_semaphore(%run_scoped3A : memref<!tpu.dma_semaphore, #tpu.memory_space<semaphore_mem>>)
      tpu.wait_dma2 semaphore(%run_scoped3A : memref<!tpu.dma_semaphore, #tpu.memory_space<semaphore_mem>>) src(%arg4 : memref<16xf32, #tpu.memory_space<hbm>>) dst(%arg11 : memref<16xf32, #tpu.memory_space<vmem>>)
      tpu.yield
    }) : () -> ()
    %iota3A = tpu.iota {dimensions = array<i32: 0>} : vector<16xi32>
    %broadcast_in_dim3A = arith.constant -1.000000e+30 : f32
    %broadcast_in_dim3A_1 = vector.broadcast %broadcast_in_dim3A : f32 to vector<16xf32>
    %get3A = arith.constant 0 : index
    %get3A_2 = tpu.vector_load %arg11[%get3A] {strides = array<i32>} : memref<16xf32, #tpu.memory_space<vmem>>, vector<16xf32>,
    %get3A_3 = arith.constant 0 : index
    %get3A_4 = tpu.vector_load %arg10[%get3A_3] {strides = array<i32>} : memref<32xf32, #tpu.memory_space<vmem>>, vector<16xf32>,
    %get3A_5 = arith.constant 16 : index
    %get3A_6 = tpu.vector_load %arg10[%get3A_5] {strides = array<i32>} : memref<32xf32, #tpu.memory_space<vmem>>, vector<16xf32>,
    %slice3A = vector.extract_strided_slice %get3A_4 {offsets = [0], sizes = [1], strides = [1]} : vector<16xf32> to vector<1xf32>
    %squeeze3A = vector.extract %slice3A[0] : f32 from vector<1xf32>
    %slice3A_7 = vector.extract_strided_slice %get3A_4 {offsets = [8], sizes = [1], strides = [1]} : vector<16xf32> to vector<1xf32>
    %squeeze3A_8 = vector.extract %slice3A_7[0] : f32 from vector<1xf32>
    %slice3A_9 = vector.extract_strided_slice %get3A_6 {offsets = [0], sizes = [1], strides = [1]} : vector<16xf32> to vector<1xf32>
    %squeeze3A_10 = vector.extract %slice3A_9[0] : f32 from vector<1xf32>
    %slice3A_11 = vector.extract_strided_slice %get3A_6 {offsets = [8], sizes = [1], strides = [1]} : vector<16xf32> to vector<1xf32>
    %squeeze3A_12 = vector.extract %slice3A_11[0] : f32 from vector<1xf32>
    %broadcast_in_dim3A_13 = vector.broadcast %squeeze3A : f32 to vector<16xf32>
    %swap3A = arith.constant 0 : index
    %swap3A_14 = tpu.vector_load %arg12[%swap3A] {strides = array<i32>} : memref<640xf32, #tpu.memory_space<vmem>>, vector<16xf32>,
    tpu.vector_store %arg12[%swap3A], %broadcast_in_dim3A_13 {strides = array<i32>} : memref<640xf32, #tpu.memory_space<vmem>>, vector<16xf32>,
    %broadcast_in_dim3A_15 = vector.broadcast %squeeze3A_8 : f32 to vector<16xf32>
    %swap3A_16 = arith.constant 16 : index
    %swap3A_17 = tpu.vector_load %arg12[%swap3A_16] {strides = array<i32>} : memref<640xf32, #tpu.memory_space<vmem>>, vector<16xf32>,
    tpu.vector_store %arg12[%swap3A_16], %broadcast_in_dim3A_15 {strides = array<i32>} : memref<640xf32, #tpu.memory_space<vmem>>, vector<16xf32>,
    %broadcast_in_dim3A_18 = vector.broadcast %squeeze3A_10 : f32 to vector<16xf32>
    %swap3A_19 = arith.constant 32 : index
    %swap3A_20 = tpu.vector_load %arg12[%swap3A_19] {strides = array<i32>} : memref<640xf32, #tpu.memory_space<vmem>>, vector<16xf32>,
    tpu.vector_store %arg12[%swap3A_19], %broadcast_in_dim3A_18 {strides = array<i32>} : memref<640xf32, #tpu.memory_space<vmem>>, vector<16xf32>,
    %broadcast_in_dim3A_21 = vector.broadcast %squeeze3A_12 : f32 to vector<16xf32>
    %swap3A_22 = arith.constant 48 : index
    %swap3A_23 = tpu.vector_load %arg12[%swap3A_22] {strides = array<i32>} : memref<640xf32, #tpu.memory_space<vmem>>, vector<16xf32>,
    tpu.vector_store %arg12[%swap3A_22], %broadcast_in_dim3A_21 {strides = array<i32>} : memref<640xf32, #tpu.memory_space<vmem>>, vector<16xf32>,
    %sub3A = arith.subf %squeeze3A_10, %squeeze3A : f32
    %sub3A_24 = arith.subf %squeeze3A_12, %squeeze3A_8 : f32
    %mul3A_25 = arith.mulf %sub3A, %sub3A_24 : f32
    %broadcast_in_dim3A_26 = vector.broadcast %mul3A_25 : f32 to vector<16xf32>
    %swap3A_27 = arith.constant 64 : index
    %swap3A_28 = tpu.vector_load %arg12[%swap3A_27] {strides = array<i32>} : memref<640xf32, #tpu.memory_space<vmem>>, vector<16xf32>,
    tpu.vector_store %arg12[%swap3A_27], %broadcast_in_dim3A_26 {strides = array<i32>} : memref<640xf32, #tpu.memory_space<vmem>>, vector<16xf32>,
    %slice3A_29 = vector.extract_strided_slice %get3A_4 {offsets = [1], sizes = [1], strides = [1]} : vector<16xf32> to vector<1xf32>
    %squeeze3A_30 = vector.extract %slice3A_29[0] : f32 from vector<1xf32>
    %slice3A_31 = vector.extract_strided_slice %get3A_4 {offsets = [9], sizes = [1], strides = [1]} : vector<16xf32> to vector<1xf32>
    %squeeze3A_32 = vector.extract %slice3A_31[0] : f32 from vector<1xf32>
    %slice3A_33 = vector.extract_strided_slice %get3A_6 {offsets = [1], sizes = [1], strides = [1]} : vector<16xf32> to vector<1xf32>
    %squeeze3A_34 = vector.extract %slice3A_33[0] : f32 from vector<1xf32>
    %slice3A_35 = vector.extract_strided_slice %get3A_6 {offsets = [9], sizes = [1], strides = [1]} : vector<16xf32> to vector<1xf32>
    %squeeze3A_36 = vector.extract %slice3A_35[0] : f32 from vector<1xf32>
    %broadcast_in_dim3A_37 = vector.broadcast %squeeze3A_30 : f32 to vector<16xf32>
    %swap3A_38 = arith.constant 80 : index
    %swap3A_39 = tpu.vector_load %arg12[%swap3A_38] {strides = array<i32>} : memref<640xf32, #tpu.memory_space<vmem>>, vector<16xf32>,
    tpu.vector_store %arg12[%swap3A_38], %broadcast_in_dim3A_37 {strides = array<i32>} : memref<640xf32, #tpu.memory_space<vmem>>, vector<16xf32>,
    %broadcast_in_dim3A_40 = vector.broadcast %squeeze3A_32 : f32 to vector<16xf32>
    %swap3A_41 = arith.constant 96 : index
    %swap3A_42 = tpu.vector_load %arg12[%swap3A_41] {strides = array<i32>} : memref<640xf32, #tpu.memory_space<vmem>>, vector<16xf32>,
    tpu.vector_store %arg12[%swap3A_41], %broadcast_in_dim3A_40 {strides = array<i32>} : memref<640xf32, #tpu.memory_space<vmem>>, vector<16xf32>,
    %broadcast_in_dim3A_43 = vector.broadcast %squeeze3A_34 : f32 to vector<16xf32>
    %swap3A_44 = arith.constant 112 : index
    %swap3A_45 = tpu.vector_load %arg12[%swap3A_44] {strides = array<i32>} : memref<640xf32, #tpu.memory_space<vmem>>, vector<16xf32>,
    tpu.vector_store %arg12[%swap3A_44], %broadcast_in_dim3A_43 {strides = array<i32>} : memref<640xf32, #tpu.memory_space<vmem>>, vector<16xf32>,
    %broadcast_in_dim3A_46 = vector.broadcast %squeeze3A_36 : f32 to vector<16xf32>
    %swap3A_47 = arith.constant 128 : index
    %swap3A_48 = tpu.vector_load %arg12[%swap3A_47] {strides = array<i32>} : memref<640xf32, #tpu.memory_space<vmem>>, vector<16xf32>,
    tpu.vector_store %arg12[%swap3A_47], %broadcast_in_dim3A_46 {strides = array<i32>} : memref<640xf32, #tpu.memory_space<vmem>>, vector<16xf32>,
    %sub3A_49 = arith.subf %squeeze3A_34, %squeeze3A_30 : f32
    %sub3A_50 = arith.subf %squeeze3A_36, %squeeze3A_32 : f32
    %mul3A_51 = arith.mulf %sub3A_49, %sub3A_50 : f32
    %broadcast_in_dim3A_52 = vector.broadcast %mul3A_51 : f32 to vector<16xf32>
    %swap3A_53 = arith.constant 144 : index
    %swap3A_54 = tpu.vector_load %arg12[%swap3A_53] {strides = array<i32>} : memref<640xf32, #tpu.memory_space<vmem>>, vector<16xf32>,
    tpu.vector_store %arg12[%swap3A_53], %broadcast_in_dim3A_52 {strides = array<i32>} : memref<640xf32, #tpu.memory_space<vmem>>, vector<16xf32>,
    %slice3A_55 = vector.extract_strided_slice %get3A_4 {offsets = [2], sizes = [1], strides = [1]} : vector<16xf32> to vector<1xf32>
    %squeeze3A_56 = vector.extract %slice3A_55[0] : f32 from vector<1xf32>
    %slice3A_57 = vector.extract_strided_slice %get3A_4 {offsets = [10], sizes = [1], strides = [1]} : vector<16xf32> to vector<1xf32>
    %squeeze3A_58 = vector.extract %slice3A_57[0] : f32 from vector<1xf32>
    %slice3A_59 = vector.extract_strided_slice %get3A_6 {offsets = [2], sizes = [1], strides = [1]} : vector<16xf32> to vector<1xf32>
    %squeeze3A_60 = vector.extract %slice3A_59[0] : f32 from vector<1xf32>
    %slice3A_61 = vector.extract_strided_slice %get3A_6 {offsets = [10], sizes = [1], strides = [1]} : vector<16xf32> to vector<1xf32>
    %squeeze3A_62 = vector.extract %slice3A_61[0] : f32 from vector<1xf32>
    %broadcast_in_dim3A_63 = vector.broadcast %squeeze3A_56 : f32 to vector<16xf32>
    %swap3A_64 = arith.constant 160 : index
    %swap3A_65 = tpu.vector_load %arg12[%swap3A_64] {strides = array<i32>} : memref<640xf32, #tpu.memory_space<vmem>>, vector<16xf32>,
    tpu.vector_store %arg12[%swap3A_64], %broadcast_in_dim3A_63 {strides = array<i32>} : memref<640xf32, #tpu.memory_space<vmem>>, vector<16xf32>,
    %broadcast_in_dim3A_66 = vector.broadcast %squeeze3A_58 : f32 to vector<16xf32>
    %swap3A_67 = arith.constant 176 : index
    %swap3A_68 = tpu.vector_load %arg12[%swap3A_67] {strides = array<i32>} : memref<640xf32, #tpu.memory_space<vmem>>, vector<16xf32>,
    tpu.vector_store %arg12[%swap3A_67], %broadcast_in_dim3A_66 {strides = array<i32>} : memref<640xf32, #tpu.memory_space<vmem>>, vector<16xf32>,
    %broadcast_in_dim3A_69 = vector.broadcast %squeeze3A_60 : f32 to vector<16xf32>
    %swap3A_70 = arith.constant 192 : index
    %swap3A_71 = tpu.vector_load %arg12[%swap3A_70] {strides = array<i32>} : memref<640xf32, #tpu.memory_space<vmem>>, vector<16xf32>,
    tpu.vector_store %arg12[%swap3A_70], %broadcast_in_dim3A_69 {strides = array<i32>} : memref<640xf32, #tpu.memory_space<vmem>>, vector<16xf32>,
    %broadcast_in_dim3A_72 = vector.broadcast %squeeze3A_62 : f32 to vector<16xf32>
    %swap3A_73 = arith.constant 208 : index
    %swap3A_74 = tpu.vector_load %arg12[%swap3A_73] {strides = array<i32>} : memref<640xf32, #tpu.memory_space<vmem>>, vector<16xf32>,
    tpu.vector_store %arg12[%swap3A_73], %broadcast_in_dim3A_72 {strides = array<i32>} : memref<640xf32, #tpu.memory_space<vmem>>, vector<16xf32>,
    %sub3A_75 = arith.subf %squeeze3A_60, %squeeze3A_56 : f32
    %sub3A_76 = arith.subf %squeeze3A_62, %squeeze3A_58 : f32
    %mul3A_77 = arith.mulf %sub3A_75, %sub3A_76 : f32
    %broadcast_in_dim3A_78 = vector.broadcast %mul3A_77 : f32 to vector<16xf32>
    %swap3A_79 = arith.constant 224 : index
    %swap3A_80 = tpu.vector_load %arg12[%swap3A_79] {strides = array<i32>} : memref<640xf32, #tpu.memory_space<vmem>>, vector<16xf32>,
    tpu.vector_store %arg12[%swap3A_79], %broadcast_in_dim3A_78 {strides = array<i32>} : memref<640xf32, #tpu.memory_space<vmem>>, vector<16xf32>,
    %slice3A_81 = vector.extract_strided_slice %get3A_4 {offsets = [3], sizes = [1], strides = [1]} : vector<16xf32> to vector<1xf32>
    %squeeze3A_82 = vector.extract %slice3A_81[0] : f32 from vector<1xf32>
    %slice3A_83 = vector.extract_strided_slice %get3A_4 {offsets = [11], sizes = [1], strides = [1]} : vector<16xf32> to vector<1xf32>
    %squeeze3A_84 = vector.extract %slice3A_83[0] : f32 from vector<1xf32>
    %slice3A_85 = vector.extract_strided_slice %get3A_6 {offsets = [3], sizes = [1], strides = [1]} : vector<16xf32> to vector<1xf32>
    %squeeze3A_86 = vector.extract %slice3A_85[0] : f32 from vector<1xf32>
    %slice3A_87 = vector.extract_strided_slice %get3A_6 {offsets = [11], sizes = [1], strides = [1]} : vector<16xf32> to vector<1xf32>
    %squeeze3A_88 = vector.extract %slice3A_87[0] : f32 from vector<1xf32>
    %broadcast_in_dim3A_89 = vector.broadcast %squeeze3A_82 : f32 to vector<16xf32>
    %swap3A_90 = arith.constant 240 : index
    %swap3A_91 = tpu.vector_load %arg12[%swap3A_90] {strides = array<i32>} : memref<640xf32, #tpu.memory_space<vmem>>, vector<16xf32>,
    tpu.vector_store %arg12[%swap3A_90], %broadcast_in_dim3A_89 {strides = array<i32>} : memref<640xf32, #tpu.memory_space<vmem>>, vector<16xf32>,
    %broadcast_in_dim3A_92 = vector.broadcast %squeeze3A_84 : f32 to vector<16xf32>
    %swap3A_93 = arith.constant 256 : index
    %swap3A_94 = tpu.vector_load %arg12[%swap3A_93] {strides = array<i32>} : memref<640xf32, #tpu.memory_space<vmem>>, vector<16xf32>,
    tpu.vector_store %arg12[%swap3A_93], %broadcast_in_dim3A_92 {strides = array<i32>} : memref<640xf32, #tpu.memory_space<vmem>>, vector<16xf32>,
    %broadcast_in_dim3A_95 = vector.broadcast %squeeze3A_86 : f32 to vector<16xf32>
    %swap3A_96 = arith.constant 272 : index
    %swap3A_97 = tpu.vector_load %arg12[%swap3A_96] {strides = array<i32>} : memref<640xf32, #tpu.memory_space<vmem>>, vector<16xf32>,
    tpu.vector_store %arg12[%swap3A_96], %broadcast_in_dim3A_95 {strides = array<i32>} : memref<640xf32, #tpu.memory_space<vmem>>, vector<16xf32>,
    %broadcast_in_dim3A_98 = vector.broadcast %squeeze3A_88 : f32 to vector<16xf32>
    %swap3A_99 = arith.constant 288 : index
    %swap3A_100 = tpu.vector_load %arg12[%swap3A_99] {strides = array<i32>} : memref<640xf32, #tpu.memory_space<vmem>>, vector<16xf32>,
    tpu.vector_store %arg12[%swap3A_99], %broadcast_in_dim3A_98 {strides = array<i32>} : memref<640xf32, #tpu.memory_space<vmem>>, vector<16xf32>,
    %sub3A_101 = arith.subf %squeeze3A_86, %squeeze3A_82 : f32
    %sub3A_102 = arith.subf %squeeze3A_88, %squeeze3A_84 : f32
    %mul3A_103 = arith.mulf %sub3A_101, %sub3A_102 : f32
    %broadcast_in_dim3A_104 = vector.broadcast %mul3A_103 : f32 to vector<16xf32>
    %swap3A_105 = arith.constant 304 : index
    %swap3A_106 = tpu.vector_load %arg12[%swap3A_105] {strides = array<i32>} : memref<640xf32, #tpu.memory_space<vmem>>, vector<16xf32>,
    tpu.vector_store %arg12[%swap3A_105], %broadcast_in_dim3A_104 {strides = array<i32>} : memref<640xf32, #tpu.memory_space<vmem>>, vector<16xf32>,
    %slice3A_107 = vector.extract_strided_slice %get3A_4 {offsets = [4], sizes = [1], strides = [1]} : vector<16xf32> to vector<1xf32>
    %squeeze3A_108 = vector.extract %slice3A_107[0] : f32 from vector<1xf32>
    %slice3A_109 = vector.extract_strided_slice %get3A_4 {offsets = [12], sizes = [1], strides = [1]} : vector<16xf32> to vector<1xf32>
    %squeeze3A_110 = vector.extract %slice3A_109[0] : f32 from vector<1xf32>
    %slice3A_111 = vector.extract_strided_slice %get3A_6 {offsets = [4], sizes = [1], strides = [1]} : vector<16xf32> to vector<1xf32>
    %squeeze3A_112 = vector.extract %slice3A_111[0] : f32 from vector<1xf32>
    %slice3A_113 = vector.extract_strided_slice %get3A_6 {offsets = [12], sizes = [1], strides = [1]} : vector<16xf32> to vector<1xf32>
    %squeeze3A_114 = vector.extract %slice3A_113[0] : f32 from vector<1xf32>
    %broadcast_in_dim3A_115 = vector.broadcast %squeeze3A_108 : f32 to vector<16xf32>
    %swap3A_116 = arith.constant 320 : index
    %swap3A_117 = tpu.vector_load %arg12[%swap3A_116] {strides = array<i32>} : memref<640xf32, #tpu.memory_space<vmem>>, vector<16xf32>,
    tpu.vector_store %arg12[%swap3A_116], %broadcast_in_dim3A_115 {strides = array<i32>} : memref<640xf32, #tpu.memory_space<vmem>>, vector<16xf32>,
    %broadcast_in_dim3A_118 = vector.broadcast %squeeze3A_110 : f32 to vector<16xf32>
    %swap3A_119 = arith.constant 336 : index
    %swap3A_120 = tpu.vector_load %arg12[%swap3A_119] {strides = array<i32>} : memref<640xf32, #tpu.memory_space<vmem>>, vector<16xf32>,
    tpu.vector_store %arg12[%swap3A_119], %broadcast_in_dim3A_118 {strides = array<i32>} : memref<640xf32, #tpu.memory_space<vmem>>, vector<16xf32>,
    %broadcast_in_dim3A_121 = vector.broadcast %squeeze3A_112 : f32 to vector<16xf32>
    %swap3A_122 = arith.constant 352 : index
    %swap3A_123 = tpu.vector_load %arg12[%swap3A_122] {strides = array<i32>} : memref<640xf32, #tpu.memory_space<vmem>>, vector<16xf32>,
    tpu.vector_store %arg12[%swap3A_122], %broadcast_in_dim3A_121 {strides = array<i32>} : memref<640xf32, #tpu.memory_space<vmem>>, vector<16xf32>,
    %broadcast_in_dim3A_124 = vector.broadcast %squeeze3A_114 : f32 to vector<16xf32>
    %swap3A_125 = arith.constant 368 : index
    %swap3A_126 = tpu.vector_load %arg12[%swap3A_125] {strides = array<i32>} : memref<640xf32, #tpu.memory_space<vmem>>, vector<16xf32>,
    tpu.vector_store %arg12[%swap3A_125], %broadcast_in_dim3A_124 {strides = array<i32>} : memref<640xf32, #tpu.memory_space<vmem>>, vector<16xf32>,
    %sub3A_127 = arith.subf %squeeze3A_112, %squeeze3A_108 : f32
    %sub3A_128 = arith.subf %squeeze3A_114, %squeeze3A_110 : f32
    %mul3A_129 = arith.mulf %sub3A_127, %sub3A_128 : f32
    %broadcast_in_dim3A_130 = vector.broadcast %mul3A_129 : f32 to vector<16xf32>
    %swap3A_131 = arith.constant 384 : index
    %swap3A_132 = tpu.vector_load %arg12[%swap3A_131] {strides = array<i32>} : memref<640xf32, #tpu.memory_space<vmem>>, vector<16xf32>,
    tpu.vector_store %arg12[%swap3A_131], %broadcast_in_dim3A_130 {strides = array<i32>} : memref<640xf32, #tpu.memory_space<vmem>>, vector<16xf32>,
    %slice3A_133 = vector.extract_strided_slice %get3A_4 {offsets = [5], sizes = [1], strides = [1]} : vector<16xf32> to vector<1xf32>
    %squeeze3A_134 = vector.extract %slice3A_133[0] : f32 from vector<1xf32>
    %slice3A_135 = vector.extract_strided_slice %get3A_4 {offsets = [13], sizes = [1], strides = [1]} : vector<16xf32> to vector<1xf32>
    %squeeze3A_136 = vector.extract %slice3A_135[0] : f32 from vector<1xf32>
    %slice3A_137 = vector.extract_strided_slice %get3A_6 {offsets = [5], sizes = [1], strides = [1]} : vector<16xf32> to vector<1xf32>
    %squeeze3A_138 = vector.extract %slice3A_137[0] : f32 from vector<1xf32>
    %slice3A_139 = vector.extract_strided_slice %get3A_6 {offsets = [13], sizes = [1], strides = [1]} : vector<16xf32> to vector<1xf32>
    %squeeze3A_140 = vector.extract %slice3A_139[0] : f32 from vector<1xf32>
    %broadcast_in_dim3A_141 = vector.broadcast %squeeze3A_134 : f32 to vector<16xf32>
    %swap3A_142 = arith.constant 400 : index
    %swap3A_143 = tpu.vector_load %arg12[%swap3A_142] {strides = array<i32>} : memref<640xf32, #tpu.memory_space<vmem>>, vector<16xf32>,
    tpu.vector_store %arg12[%swap3A_142], %broadcast_in_dim3A_141 {strides = array<i32>} : memref<640xf32, #tpu.memory_space<vmem>>, vector<16xf32>,
    %broadcast_in_dim3A_144 = vector.broadcast %squeeze3A_136 : f32 to vector<16xf32>
    %swap3A_145 = arith.constant 416 : index
    %swap3A_146 = tpu.vector_load %arg12[%swap3A_145] {strides = array<i32>} : memref<640xf32, #tpu.memory_space<vmem>>, vector<16xf32>,
    tpu.vector_store %arg12[%swap3A_145], %broadcast_in_dim3A_144 {strides = array<i32>} : memref<640xf32, #tpu.memory_space<vmem>>, vector<16xf32>,
    %broadcast_in_dim3A_147 = vector.broadcast %squeeze3A_138 : f32 to vector<16xf32>
    %swap3A_148 = arith.constant 432 : index
    %swap3A_149 = tpu.vector_load %arg12[%swap3A_148] {strides = array<i32>} : memref<640xf32, #tpu.memory_space<vmem>>, vector<16xf32>,
    tpu.vector_store %arg12[%swap3A_148], %broadcast_in_dim3A_147 {strides = array<i32>} : memref<640xf32, #tpu.memory_space<vmem>>, vector<16xf32>,
    %broadcast_in_dim3A_150 = vector.broadcast %squeeze3A_140 : f32 to vector<16xf32>
    %swap3A_151 = arith.constant 448 : index
    %swap3A_152 = tpu.vector_load %arg12[%swap3A_151] {strides = array<i32>} : memref<640xf32, #tpu.memory_space<vmem>>, vector<16xf32>,
    tpu.vector_store %arg12[%swap3A_151], %broadcast_in_dim3A_150 {strides = array<i32>} : memref<640xf32, #tpu.memory_space<vmem>>, vector<16xf32>,
    %sub3A_153 = arith.subf %squeeze3A_138, %squeeze3A_134 : f32
    %sub3A_154 = arith.subf %squeeze3A_140, %squeeze3A_136 : f32
    %mul3A_155 = arith.mulf %sub3A_153, %sub3A_154 : f32
    %broadcast_in_dim3A_156 = vector.broadcast %mul3A_155 : f32 to vector<16xf32>
    %swap3A_157 = arith.constant 464 : index
    %swap3A_158 = tpu.vector_load %arg12[%swap3A_157] {strides = array<i32>} : memref<640xf32, #tpu.memory_space<vmem>>, vector<16xf32>,
    tpu.vector_store %arg12[%swap3A_157], %broadcast_in_dim3A_156 {strides = array<i32>} : memref<640xf32, #tpu.memory_space<vmem>>, vector<16xf32>,
    %slice3A_159 = vector.extract_strided_slice %get3A_4 {offsets = [6], sizes = [1], strides = [1]} : vector<16xf32> to vector<1xf32>
    %squeeze3A_160 = vector.extract %slice3A_159[0] : f32 from vector<1xf32>
    %slice3A_161 = vector.extract_strided_slice %get3A_4 {offsets = [14], sizes = [1], strides = [1]} : vector<16xf32> to vector<1xf32>
    %squeeze3A_162 = vector.extract %slice3A_161[0] : f32 from vector<1xf32>
    %slice3A_163 = vector.extract_strided_slice %get3A_6 {offsets = [6], sizes = [1], strides = [1]} : vector<16xf32> to vector<1xf32>
    %squeeze3A_164 = vector.extract %slice3A_163[0] : f32 from vector<1xf32>
    %slice3A_165 = vector.extract_strided_slice %get3A_6 {offsets = [14], sizes = [1], strides = [1]} : vector<16xf32> to vector<1xf32>
    %squeeze3A_166 = vector.extract %slice3A_165[0] : f32 from vector<1xf32>
    %broadcast_in_dim3A_167 = vector.broadcast %squeeze3A_160 : f32 to vector<16xf32>
    %swap3A_168 = arith.constant 480 : index
    %swap3A_169 = tpu.vector_load %arg12[%swap3A_168] {strides = array<i32>} : memref<640xf32, #tpu.memory_space<vmem>>, vector<16xf32>,
    tpu.vector_store %arg12[%swap3A_168], %broadcast_in_dim3A_167 {strides = array<i32>} : memref<640xf32, #tpu.memory_space<vmem>>, vector<16xf32>,
    %broadcast_in_dim3A_170 = vector.broadcast %squeeze3A_162 : f32 to vector<16xf32>
    %swap3A_171 = arith.constant 496 : index
    %swap3A_172 = tpu.vector_load %arg12[%swap3A_171] {strides = array<i32>} : memref<640xf32, #tpu.memory_space<vmem>>, vector<16xf32>,
    tpu.vector_store %arg12[%swap3A_171], %broadcast_in_dim3A_170 {strides = array<i32>} : memref<640xf32, #tpu.memory_space<vmem>>, vector<16xf32>,
    %broadcast_in_dim3A_173 = vector.broadcast %squeeze3A_164 : f32 to vector<16xf32>
    %swap3A_174 = arith.constant 512 : index
    %swap3A_175 = tpu.vector_load %arg12[%swap3A_174] {strides = array<i32>} : memref<640xf32, #tpu.memory_space<vmem>>, vector<16xf32>,
    tpu.vector_store %arg12[%swap3A_174], %broadcast_in_dim3A_173 {strides = array<i32>} : memref<640xf32, #tpu.memory_space<vmem>>, vector<16xf32>,
    %broadcast_in_dim3A_176 = vector.broadcast %squeeze3A_166 : f32 to vector<16xf32>
    %swap3A_177 = arith.constant 528 : index
    %swap3A_178 = tpu.vector_load %arg12[%swap3A_177] {strides = array<i32>} : memref<640xf32, #tpu.memory_space<vmem>>, vector<16xf32>,
    tpu.vector_store %arg12[%swap3A_177], %broadcast_in_dim3A_176 {strides = array<i32>} : memref<640xf32, #tpu.memory_space<vmem>>, vector<16xf32>,
    %sub3A_179 = arith.subf %squeeze3A_164, %squeeze3A_160 : f32
    %sub3A_180 = arith.subf %squeeze3A_166, %squeeze3A_162 : f32
    %mul3A_181 = arith.mulf %sub3A_179, %sub3A_180 : f32
    %broadcast_in_dim3A_182 = vector.broadcast %mul3A_181 : f32 to vector<16xf32>
    %swap3A_183 = arith.constant 544 : index
    %swap3A_184 = tpu.vector_load %arg12[%swap3A_183] {strides = array<i32>} : memref<640xf32, #tpu.memory_space<vmem>>, vector<16xf32>,
    tpu.vector_store %arg12[%swap3A_183], %broadcast_in_dim3A_182 {strides = array<i32>} : memref<640xf32, #tpu.memory_space<vmem>>, vector<16xf32>,
    %slice3A_185 = vector.extract_strided_slice %get3A_4 {offsets = [7], sizes = [1], strides = [1]} : vector<16xf32> to vector<1xf32>
    %squeeze3A_186 = vector.extract %slice3A_185[0] : f32 from vector<1xf32>
    %slice3A_187 = vector.extract_strided_slice %get3A_4 {offsets = [15], sizes = [1], strides = [1]} : vector<16xf32> to vector<1xf32>
    %squeeze3A_188 = vector.extract %slice3A_187[0] : f32 from vector<1xf32>
    %slice3A_189 = vector.extract_strided_slice %get3A_6 {offsets = [7], sizes = [1], strides = [1]} : vector<16xf32> to vector<1xf32>
    %squeeze3A_190 = vector.extract %slice3A_189[0] : f32 from vector<1xf32>
    %slice3A_191 = vector.extract_strided_slice %get3A_6 {offsets = [15], sizes = [1], strides = [1]} : vector<16xf32> to vector<1xf32>
    %squeeze3A_192 = vector.extract %slice3A_191[0] : f32 from vector<1xf32>
    %broadcast_in_dim3A_193 = vector.broadcast %squeeze3A_186 : f32 to vector<16xf32>
    %swap3A_194 = arith.constant 560 : index
    %swap3A_195 = tpu.vector_load %arg12[%swap3A_194] {strides = array<i32>} : memref<640xf32, #tpu.memory_space<vmem>>, vector<16xf32>,
    tpu.vector_store %arg12[%swap3A_194], %broadcast_in_dim3A_193 {strides = array<i32>} : memref<640xf32, #tpu.memory_space<vmem>>, vector<16xf32>,
    %broadcast_in_dim3A_196 = vector.broadcast %squeeze3A_188 : f32 to vector<16xf32>
    %swap3A_197 = arith.constant 576 : index
    %swap3A_198 = tpu.vector_load %arg12[%swap3A_197] {strides = array<i32>} : memref<640xf32, #tpu.memory_space<vmem>>, vector<16xf32>,
    tpu.vector_store %arg12[%swap3A_197], %broadcast_in_dim3A_196 {strides = array<i32>} : memref<640xf32, #tpu.memory_space<vmem>>, vector<16xf32>,
    %broadcast_in_dim3A_199 = vector.broadcast %squeeze3A_190 : f32 to vector<16xf32>
    %swap3A_200 = arith.constant 592 : index
    %swap3A_201 = tpu.vector_load %arg12[%swap3A_200] {strides = array<i32>} : memref<640xf32, #tpu.memory_space<vmem>>, vector<16xf32>,
    tpu.vector_store %arg12[%swap3A_200], %broadcast_in_dim3A_199 {strides = array<i32>} : memref<640xf32, #tpu.memory_space<vmem>>, vector<16xf32>,
    %broadcast_in_dim3A_202 = vector.broadcast %squeeze3A_192 : f32 to vector<16xf32>
    %swap3A_203 = arith.constant 608 : index
    %swap3A_204 = tpu.vector_load %arg12[%swap3A_203] {strides = array<i32>} : memref<640xf32, #tpu.memory_space<vmem>>, vector<16xf32>,
    tpu.vector_store %arg12[%swap3A_203], %broadcast_in_dim3A_202 {strides = array<i32>} : memref<640xf32, #tpu.memory_space<vmem>>, vector<16xf32>,
    %sub3A_205 = arith.subf %squeeze3A_190, %squeeze3A_186 : f32
    %sub3A_206 = arith.subf %squeeze3A_192, %squeeze3A_188 : f32
    %mul3A_207 = arith.mulf %sub3A_205, %sub3A_206 : f32
    %broadcast_in_dim3A_208 = vector.broadcast %mul3A_207 : f32 to vector<16xf32>
    %swap3A_209 = arith.constant 624 : index
    %swap3A_210 = tpu.vector_load %arg12[%swap3A_209] {strides = array<i32>} : memref<640xf32, #tpu.memory_space<vmem>>, vector<16xf32>,
    tpu.vector_store %arg12[%swap3A_209], %broadcast_in_dim3A_208 {strides = array<i32>} : memref<640xf32, #tpu.memory_space<vmem>>, vector<16xf32>,
    %swap3A_211 = arith.constant 0 : index
    %swap3A_212 = tpu.vector_load %arg8[%swap3A_211] {strides = array<i32>} : memref<128xf32, #tpu.memory_space<vmem>>, vector<16xf32>,
    tpu.vector_store %arg8[%swap3A_211], %broadcast_in_dim3A_1 {strides = array<i32>} : memref<128xf32, #tpu.memory_space<vmem>>, vector<16xf32>,
    %swap3A_213 = arith.constant 16 : index
    %swap3A_214 = tpu.vector_load %arg8[%swap3A_213] {strides = array<i32>} : memref<128xf32, #tpu.memory_space<vmem>>, vector<16xf32>,
    tpu.vector_store %arg8[%swap3A_213], %broadcast_in_dim3A_1 {strides = array<i32>} : memref<128xf32, #tpu.memory_space<vmem>>, vector<16xf32>,
    %swap3A_215 = arith.constant 32 : index
    %swap3A_216 = tpu.vector_load %arg8[%swap3A_215] {strides = array<i32>} : memref<128xf32, #tpu.memory_space<vmem>>, vector<16xf32>,
    tpu.vector_store %arg8[%swap3A_215], %broadcast_in_dim3A_1 {strides = array<i32>} : memref<128xf32, #tpu.memory_space<vmem>>, vector<16xf32>,
    %swap3A_217 = arith.constant 48 : index
    %swap3A_218 = tpu.vector_load %arg8[%swap3A_217] {strides = array<i32>} : memref<128xf32, #tpu.memory_space<vmem>>, vector<16xf32>,
    tpu.vector_store %arg8[%swap3A_217], %broadcast_in_dim3A_1 {strides = array<i32>} : memref<128xf32, #tpu.memory_space<vmem>>, vector<16xf32>,
    %swap3A_219 = arith.constant 64 : index
    %swap3A_220 = tpu.vector_load %arg8[%swap3A_219] {strides = array<i32>} : memref<128xf32, #tpu.memory_space<vmem>>, vector<16xf32>,
    tpu.vector_store %arg8[%swap3A_219], %broadcast_in_dim3A_1 {strides = array<i32>} : memref<128xf32, #tpu.memory_space<vmem>>, vector<16xf32>,
    %swap3A_221 = arith.constant 80 : index
    %swap3A_222 = tpu.vector_load %arg8[%swap3A_221] {strides = array<i32>} : memref<128xf32, #tpu.memory_space<vmem>>, vector<16xf32>,
    tpu.vector_store %arg8[%swap3A_221], %broadcast_in_dim3A_1 {strides = array<i32>} : memref<128xf32, #tpu.memory_space<vmem>>, vector<16xf32>,
    %swap3A_223 = arith.constant 96 : index
    %swap3A_224 = tpu.vector_load %arg8[%swap3A_223] {strides = array<i32>} : memref<128xf32, #tpu.memory_space<vmem>>, vector<16xf32>,
    tpu.vector_store %arg8[%swap3A_223], %broadcast_in_dim3A_1 {strides = array<i32>} : memref<128xf32, #tpu.memory_space<vmem>>, vector<16xf32>,
    %swap3A_225 = arith.constant 112 : index
    %swap3A_226 = tpu.vector_load %arg8[%swap3A_225] {strides = array<i32>} : memref<128xf32, #tpu.memory_space<vmem>>, vector<16xf32>,
    tpu.vector_store %arg8[%swap3A_225], %broadcast_in_dim3A_1 {strides = array<i32>} : memref<128xf32, #tpu.memory_space<vmem>>, vector<16xf32>,
    %add3A_227 = arith.constant 0 : i32
    %add3A_228 = arith.addi %add3A_227, %add3A : i32
    %min3A = arith.constant 156 : i32
    %min3A_229 = arith.minsi %add3A_228, %min3A : i32
    %mul3A_230 = arith.constant 128 : i32
    %mul3A_231 = arith.muli %min3A_229, %mul3A_230 : i32
    %multiple_of3A = tpu.assume_multiple %mul3A_231, 128 : i32
    %dma_start3A = arith.constant 0 : i32
    %dma_start3A_232 = arith.constant 0 : i32
    %dma_start3A_233 = tpu.memref_slice %arg2[%dma_start3A, %dma_start3A_232, %multiple_of3A] : memref<7x8x20000xf32, #tpu.memory_space<hbm>> -> memref<7x8x128xf32, #tpu.memory_space<hbm>>
    %dma_start3A_234 = arith.constant 0 : i32
    %dma_start3A_235 = arith.constant 0 : i32
    %dma_start3A_236 = tpu.memref_slice %arg2[%dma_start3A_234, %dma_start3A_235, %multiple_of3A] : memref<7x8x20000xf32, #tpu.memory_space<hbm>> -> memref<7x8x128xf32, #tpu.memory_space<hbm>>
    tpu.enqueue_dma source(%dma_start3A_236 : memref<7x8x128xf32, #tpu.memory_space<hbm>>) target(%arg6 : memref<7x8x128xf32, #tpu.memory_space<vmem>>) target_semaphore(%arg13 : memref<!tpu.dma_semaphore, #tpu.memory_space<semaphore_mem>>)
    %add3A_237 = arith.constant 32 : i32
    %add3A_238 = arith.addi %add3A_237, %add3A : i32
    %min3A_239 = arith.constant 156 : i32
    %min3A_240 = arith.minsi %add3A_238, %min3A_239 : i32
    %mul3A_241 = arith.constant 128 : i32
    %mul3A_242 = arith.muli %min3A_240, %mul3A_241 : i32
    %multiple_of3A_243 = tpu.assume_multiple %mul3A_242, 128 : i32
    %dma_start3A_244 = arith.constant 0 : i32
    %dma_start3A_245 = arith.constant 0 : i32
    %dma_start3A_246 = tpu.memref_slice %arg2[%dma_start3A_244, %dma_start3A_245, %multiple_of3A_243] : memref<7x8x20000xf32, #tpu.memory_space<hbm>> -> memref<7x8x128xf32, #tpu.memory_space<hbm>>
    %dma_start3A_247 = arith.constant 0 : i32
    %dma_start3A_248 = arith.constant 0 : i32
    %dma_start3A_249 = tpu.memref_slice %arg2[%dma_start3A_247, %dma_start3A_248, %multiple_of3A_243] : memref<7x8x20000xf32, #tpu.memory_space<hbm>> -> memref<7x8x128xf32, #tpu.memory_space<hbm>>
    tpu.enqueue_dma source(%dma_start3A_249 : memref<7x8x128xf32, #tpu.memory_space<hbm>>) target(%arg7 : memref<7x8x128xf32, #tpu.memory_space<vmem>>) target_semaphore(%arg14 : memref<!tpu.dma_semaphore, #tpu.memory_space<semaphore_mem>>)
    %dma_wait3A = arith.constant 0 : i32
    %dma_wait3A_250 = arith.constant 0 : i32
    %dma_wait3A_251 = tpu.memref_slice %arg2[%dma_wait3A, %dma_wait3A_250, %multiple_of3A] : memref<7x8x20000xf32, #tpu.memory_space<hbm>> -> memref<7x8x128xf32, #tpu.memory_space<hbm>>
    %dma_wait3A_252 = arith.constant 0 : i32
    %dma_wait3A_253 = arith.constant 0 : i32
    %dma_wait3A_254 = tpu.memref_slice %arg2[%dma_wait3A_252, %dma_wait3A_253, %multiple_of3A] : memref<7x8x20000xf32, #tpu.memory_space<hbm>> -> memref<7x8x128xf32, #tpu.memory_space<hbm>>
    tpu.wait_dma2 semaphore(%arg13 : memref<!tpu.dma_semaphore, #tpu.memory_space<semaphore_mem>>) src(%dma_wait3A_254 : memref<7x8x128xf32, #tpu.memory_space<hbm>>) dst(%arg6 : memref<7x8x128xf32, #tpu.memory_space<vmem>>)
    %add3A_255 = arith.constant 0 : i32
    %add3A_256 = arith.addi %add3A_255, %add3A : i32
    %min3A_257 = arith.constant 156 : i32
    %min3A_258 = arith.minsi %add3A_256, %min3A_257 : i32
    %mul3A_259 = arith.constant 128 : i32
    %mul3A_260 = arith.muli %min3A_258, %mul3A_259 : i32
    %multiple_of3A_261 = tpu.assume_multiple %mul3A_260, 128 : i32
    %add3A_262 = vector.broadcast %multiple_of3A_261 : i32 to vector<16xi32>
    %add3A_263 = arith.addi %iota3A, %add3A_262 : vector<16xi32>
    %scan3A = arith.constant 0 : i32
    %scan3A_264 = arith.constant 0 : i32
    %scan3A_265 = arith.constant 8 : i32
    %scan3A_266 = arith.addi %scan3A_264, %scan3A_265 : i32
    %scan3A_267 = arith.constant 1 : i32
    %scan3A_268 = scf.for %scan3A_484 = %scan3A_264 to %scan3A_266 step %scan3A_267 iter_args(%scan3A_485 = %scan3A) -> (i32)  : i32 {
      %mul3A_486 = arith.constant 80 : i32
      %mul3A_487 = arith.muli %scan3A_484, %mul3A_486 : i32
      %get3A_488 = arith.index_cast %mul3A_487 : i32 to index
      %get3A_489 = tpu.vector_load %arg12[%get3A_488] {strides = array<i32>} : memref<640xf32, #tpu.memory_space<vmem>>, vector<16xf32>,
      %add3A_490 = arith.constant 16 : i32
      %add3A_491 = arith.addi %mul3A_487, %add3A_490 : i32
      %get3A_492 = arith.index_cast %add3A_491 : i32 to index
      %get3A_493 = tpu.vector_load %arg12[%get3A_492] {strides = array<i32>} : memref<640xf32, #tpu.memory_space<vmem>>, vector<16xf32>,
      %add3A_494 = arith.constant 32 : i32
      %add3A_495 = arith.addi %mul3A_487, %add3A_494 : i32
      %get3A_496 = arith.index_cast %add3A_495 : i32 to index
      %get3A_497 = tpu.vector_load %arg12[%get3A_496] {strides = array<i32>} : memref<640xf32, #tpu.memory_space<vmem>>, vector<16xf32>,
      %add3A_498 = arith.constant 48 : i32
      %add3A_499 = arith.addi %mul3A_487, %add3A_498 : i32
      %get3A_500 = arith.index_cast %add3A_499 : i32 to index
      %get3A_501 = tpu.vector_load %arg12[%get3A_500] {strides = array<i32>} : memref<640xf32, #tpu.memory_space<vmem>>, vector<16xf32>,
      %add3A_502 = arith.constant 64 : i32
      %add3A_503 = arith.addi %mul3A_487, %add3A_502 : i32
      %get3A_504 = arith.index_cast %add3A_503 : i32 to index
      %get3A_505 = tpu.vector_load %arg12[%get3A_504] {strides = array<i32>} : memref<640xf32, #tpu.memory_space<vmem>>, vector<16xf32>,
      %mul3A_506 = arith.constant 16 : i32
      %mul3A_507 = arith.muli %scan3A_484, %mul3A_506 : i32
      %get3A_508 = arith.index_cast %mul3A_507 : i32 to index
      %get3A_509 = tpu.vector_load %arg8[%get3A_508] {strides = array<i32>} : memref<128xf32, #tpu.memory_space<vmem>>, vector<16xf32>,
      %scan3A_510 = arith.constant 0 : i32
      %scan3A_511 = arith.constant 8 : i32
      %scan3A_512 = arith.addi %scan3A_510, %scan3A_511 : i32
      %scan3A_513 = arith.constant 1 : i32
      %scan3A_514 = scf.for %scan3A_521 = %scan3A_510 to %scan3A_512 step %scan3A_513 iter_args(%scan3A_522 = %get3A_509) -> (vector<16xf32>)  : i32 {
        %mul3A_523 = arith.constant 16 : i32
        %mul3A_524 = arith.muli %scan3A_521, %mul3A_523 : i32
        %get3A_525 = arith.constant 0 : i32
        %get3A_526 = arith.index_cast %get3A_525 : i32 to index
        %get3A_527 = arith.index_cast %scan3A_484 : i32 to index
        %get3A_528 = arith.index_cast %mul3A_524 : i32 to index
        %get3A_529 = tpu.vector_load %arg6[%get3A_526, %get3A_527, %get3A_528] {strides = array<i32>} : memref<7x8x128xf32, #tpu.memory_space<vmem>>, vector<16xf32>,
        %get3A_530 = arith.constant 1 : i32
        %get3A_531 = arith.index_cast %get3A_530 : i32 to index
        %get3A_532 = arith.index_cast %scan3A_484 : i32 to index
        %get3A_533 = arith.index_cast %mul3A_524 : i32 to index
        %get3A_534 = tpu.vector_load %arg6[%get3A_531, %get3A_532, %get3A_533] {strides = array<i32>} : memref<7x8x128xf32, #tpu.memory_space<vmem>>, vector<16xf32>,
        %get3A_535 = arith.constant 2 : i32
        %get3A_536 = arith.index_cast %get3A_535 : i32 to index
        %get3A_537 = arith.index_cast %scan3A_484 : i32 to index
        %get3A_538 = arith.index_cast %mul3A_524 : i32 to index
        %get3A_539 = tpu.vector_load %arg6[%get3A_536, %get3A_537, %get3A_538] {strides = array<i32>} : memref<7x8x128xf32, #tpu.memory_space<vmem>>, vector<16xf32>,
        %get3A_540 = arith.constant 3 : i32
        %get3A_541 = arith.index_cast %get3A_540 : i32 to index
        %get3A_542 = arith.index_cast %scan3A_484 : i32 to index
        %get3A_543 = arith.index_cast %mul3A_524 : i32 to index
        %get3A_544 = tpu.vector_load %arg6[%get3A_541, %get3A_542, %get3A_543] {strides = array<i32>} : memref<7x8x128xf32, #tpu.memory_space<vmem>>, vector<16xf32>,
        %get3A_545 = arith.constant 4 : i32
        %get3A_546 = arith.index_cast %get3A_545 : i32 to index
        %get3A_547 = arith.index_cast %scan3A_484 : i32 to index
        %get3A_548 = arith.index_cast %mul3A_524 : i32 to index
        %get3A_549 = tpu.vector_load %arg6[%get3A_546, %get3A_547, %get3A_548] {strides = array<i32>} : memref<7x8x128xf32, #tpu.memory_space<vmem>>, vector<16xf32>,
        %get3A_550 = arith.constant 6 : i32
        %get3A_551 = arith.index_cast %get3A_550 : i32 to index
        %get3A_552 = arith.index_cast %scan3A_484 : i32 to index
        %get3A_553 = arith.index_cast %mul3A_524 : i32 to index
        %get3A_554 = tpu.vector_load %arg6[%get3A_551, %get3A_552, %get3A_553] {strides = array<i32>} : memref<7x8x128xf32, #tpu.memory_space<vmem>>, vector<16xf32>,
        %div3A = arith.constant 2.000000e+00 : f32
        %div3A_555 = vector.broadcast %div3A : f32 to vector<16xf32>
        %div3A_556 = arith.divf %get3A_539, %div3A_555 : vector<16xf32>
        %sub3A_557 = arith.subf %get3A_529, %div3A_556 : vector<16xf32>
        %mul3A_558 = arith.constant 6.400000e+02 : f32
        %mul3A_559 = vector.broadcast %mul3A_558 : f32 to vector<16xf32>
        %mul3A_560 = arith.mulf %sub3A_557, %mul3A_559 : vector<16xf32>
        %div3A_561 = arith.constant 2.000000e+00 : f32
        %div3A_562 = vector.broadcast %div3A_561 : f32 to vector<16xf32>
        %div3A_563 = arith.divf %get3A_544, %div3A_562 : vector<16xf32>
        %sub3A_564 = arith.subf %get3A_534, %div3A_563 : vector<16xf32>
        %mul3A_565 = arith.constant 6.400000e+02 : f32
        %mul3A_566 = vector.broadcast %mul3A_565 : f32 to vector<16xf32>
        %mul3A_567 = arith.mulf %sub3A_564, %mul3A_566 : vector<16xf32>
        %div3A_568 = arith.constant 2.000000e+00 : f32
        %div3A_569 = vector.broadcast %div3A_568 : f32 to vector<16xf32>
        %div3A_570 = arith.divf %get3A_539, %div3A_569 : vector<16xf32>
        %add3A_571 = arith.addf %get3A_529, %div3A_570 : vector<16xf32>
        %mul3A_572 = arith.constant 6.400000e+02 : f32
        %mul3A_573 = vector.broadcast %mul3A_572 : f32 to vector<16xf32>
        %mul3A_574 = arith.mulf %add3A_571, %mul3A_573 : vector<16xf32>
        %div3A_575 = arith.constant 2.000000e+00 : f32
        %div3A_576 = vector.broadcast %div3A_575 : f32 to vector<16xf32>
        %div3A_577 = arith.divf %get3A_544, %div3A_576 : vector<16xf32>
        %add3A_578 = arith.addf %get3A_534, %div3A_577 : vector<16xf32>
        %mul3A_579 = arith.constant 6.400000e+02 : f32
        %mul3A_580 = vector.broadcast %mul3A_579 : f32 to vector<16xf32>
        %mul3A_581 = arith.mulf %add3A_578, %mul3A_580 : vector<16xf32>
        %max3A = arith.maximumf %mul3A_560, %get3A_489 : vector<16xf32>
        %max3A_582 = arith.maximumf %mul3A_567, %get3A_493 : vector<16xf32>
        %min3A_583 = arith.minimumf %mul3A_574, %get3A_497 : vector<16xf32>
        %min3A_584 = arith.minimumf %mul3A_581, %get3A_501 : vector<16xf32>
        %sub3A_585 = arith.subf %min3A_583, %max3A : vector<16xf32>
        %max3A_586 = arith.constant 0.000000e+00 : f32
        %max3A_587 = vector.broadcast %max3A_586 : f32 to vector<16xf32>
        %max3A_588 = arith.maximumf %sub3A_585, %max3A_587 : vector<16xf32>
        %sub3A_589 = arith.subf %min3A_584, %max3A_582 : vector<16xf32>
        %max3A_590 = arith.constant 0.000000e+00 : f32
        %max3A_591 = vector.broadcast %max3A_590 : f32 to vector<16xf32>
        %max3A_592 = arith.maximumf %sub3A_589, %max3A_591 : vector<16xf32>
        %mul3A_593 = arith.mulf %max3A_588, %max3A_592 : vector<16xf32>
        %sub3A_594 = arith.subf %mul3A_574, %mul3A_560 : vector<16xf32>
        %sub3A_595 = arith.subf %mul3A_581, %mul3A_567 : vector<16xf32>
        %mul3A_596 = arith.mulf %sub3A_594, %sub3A_595 : vector<16xf32>
        %add3A_597 = arith.addf %mul3A_596, %get3A_505 : vector<16xf32>
        %sub3A_598 = arith.subf %add3A_597, %mul3A_593 : vector<16xf32>
        %gt3A = arith.constant 2.000000e-01 : f32
        %gt3A_599 = vector.broadcast %gt3A : f32 to vector<16xf32>
        %gt3A_600 = arith.cmpf ogt, %get3A_549, %gt3A_599 : vector<16xf32>
        %mul3A_601 = arith.mulf %get3A_2, %sub3A_598 : vector<16xf32>
        %ge3A = arith.cmpf oge, %mul3A_593, %mul3A_601 : vector<16xf32>
        %and3A = arith.andi %gt3A_600, %ge3A : vector<16xi1>
        %convert_element_type3A = arith.fptosi %get3A_554 : vector<16xf32> to vector<16xi32>
        %eq3A_602 = arith.constant 0 : i32
        %eq3A_603 = vector.broadcast %eq3A_602 : i32 to vector<16xi32>
        %eq3A_604 = arith.cmpi eq, %convert_element_type3A, %eq3A_603 : vector<16xi32>
        %and3A_605 = arith.andi %and3A, %eq3A_604 : vector<16xi1>
        %add3A_606 = vector.broadcast %mul3A_524 : i32 to vector<16xi32>
        %add3A_607 = arith.addi %add3A_263, %add3A_606 : vector<16xi32>
        %lt3A = arith.constant 20000 : i32
        %lt3A_608 = vector.broadcast %lt3A : i32 to vector<16xi32>
        %lt3A_609 = arith.cmpi slt, %add3A_607, %lt3A_608 : vector<16xi32>
        %and3A_610 = arith.andi %and3A_605, %lt3A_609 : vector<16xi1>
        %jit3A = arith.constant -1.000000e+30 : f32
        %broadcast_in_dim3A_611 = vector.broadcast %jit3A : f32 to vector<16xf32>
        %select_n3A_612 = arith.select %and3A_610, %get3A_549, %broadcast_in_dim3A_611 : vector<16xi1>, vector<16xf32>
        %max3A_613 = arith.maximumf %scan3A_522, %select_n3A_612 : vector<16xf32>
        scf.yield %max3A_613 : vector<16xf32>
      }
      %scan3A_515 = arith.constant 8 : i32
      %mul3A_516 = arith.constant 16 : i32
      %mul3A_517 = arith.muli %scan3A_484, %mul3A_516 : i32
      %swap3A_518 = arith.index_cast %mul3A_517 : i32 to index
      %swap3A_519 = tpu.vector_load %arg8[%swap3A_518] {strides = array<i32>} : memref<128xf32, #tpu.memory_space<vmem>>, vector<16xf32>,
      tpu.vector_store %arg8[%swap3A_518], %scan3A_514 {strides = array<i32>} : memref<128xf32, #tpu.memory_space<vmem>>, vector<16xf32>,
      %scan3A_520 = arith.constant 0 : i32
      scf.yield %scan3A_520 : i32
    }
    %scan3A_269 = arith.constant 8 : i32
    %add3A_270 = arith.constant 64 : i32
    %add3A_271 = arith.addi %add3A_270, %add3A : i32
    %min3A_272 = arith.constant 156 : i32
    %min3A_273 = arith.minsi %add3A_271, %min3A_272 : i32
    %mul3A_274 = arith.constant 128 : i32
    %mul3A_275 = arith.muli %min3A_273, %mul3A_274 : i32
    %multiple_of3A_276 = tpu.assume_multiple %mul3A_275, 128 : i32
    %dma_start3A_277 = arith.constant 0 : i32
    %dma_start3A_278 = arith.constant 0 : i32
    %dma_start3A_279 = tpu.memref_slice %arg2[%dma_start3A_277, %dma_start3A_278, %multiple_of3A_276] : memref<7x8x20000xf32, #tpu.memory_space<hbm>> -> memref<7x8x128xf32, #tpu.memory_space<hbm>>
    %dma_start3A_280 = arith.constant 0 : i32
    %dma_start3A_281 = arith.constant 0 : i32
    %dma_start3A_282 = tpu.memref_slice %arg2[%dma_start3A_280, %dma_start3A_281, %multiple_of3A_276] : memref<7x8x20000xf32, #tpu.memory_space<hbm>> -> memref<7x8x128xf32, #tpu.memory_space<hbm>>
    tpu.enqueue_dma source(%dma_start3A_282 : memref<7x8x128xf32, #tpu.memory_space<hbm>>) target(%arg6 : memref<7x8x128xf32, #tpu.memory_space<vmem>>) target_semaphore(%arg13 : memref<!tpu.dma_semaphore, #tpu.memory_space<semaphore_mem>>)
    %dma_wait3A_283 = arith.constant 0 : i32
    %dma_wait3A_284 = arith.constant 0 : i32
    %dma_wait3A_285 = tpu.memref_slice %arg2[%dma_wait3A_283, %dma_wait3A_284, %multiple_of3A_243] : memref<7x8x20000xf32, #tpu.memory_space<hbm>> -> memref<7x8x128xf32, #tpu.memory_space<hbm>>
    %dma_wait3A_286 = arith.constant 0 : i32
    %dma_wait3A_287 = arith.constant 0 : i32
    %dma_wait3A_288 = tpu.memref_slice %arg2[%dma_wait3A_286, %dma_wait3A_287, %multiple_of3A_243] : memref<7x8x20000xf32, #tpu.memory_space<hbm>> -> memref<7x8x128xf32, #tpu.memory_space<hbm>>
    tpu.wait_dma2 semaphore(%arg14 : memref<!tpu.dma_semaphore, #tpu.memory_space<semaphore_mem>>) src(%dma_wait3A_288 : memref<7x8x128xf32, #tpu.memory_space<hbm>>) dst(%arg7 : memref<7x8x128xf32, #tpu.memory_space<vmem>>)
    %add3A_289 = arith.constant 32 : i32
    %add3A_290 = arith.addi %add3A_289, %add3A : i32
    %min3A_291 = arith.constant 156 : i32
    %min3A_292 = arith.minsi %add3A_290, %min3A_291 : i32
    %mul3A_293 = arith.constant 128 : i32
    %mul3A_294 = arith.muli %min3A_292, %mul3A_293 : i32
    %multiple_of3A_295 = tpu.assume_multiple %mul3A_294, 128 : i32
    %add3A_296 = vector.broadcast %multiple_of3A_295 : i32 to vector<16xi32>
    %add3A_297 = arith.addi %iota3A, %add3A_296 : vector<16xi32>
    %scan3A_298 = arith.constant 0 : i32
    %scan3A_299 = arith.constant 0 : i32
    %scan3A_300 = arith.constant 8 : i32
    %scan3A_301 = arith.addi %scan3A_299, %scan3A_300 : i32
    %scan3A_302 = arith.constant 1 : i32
    %scan3A_303 = scf.for %scan3A_484 = %scan3A_299 to %scan3A_301 step %scan3A_302 iter_args(%scan3A_485 = %scan3A_298) -> (i32)  : i32 {
      %mul3A_486 = arith.constant 80 : i32
      %mul3A_487 = arith.muli %scan3A_484, %mul3A_486 : i32
      %get3A_488 = arith.index_cast %mul3A_487 : i32 to index
      %get3A_489 = tpu.vector_load %arg12[%get3A_488] {strides = array<i32>} : memref<640xf32, #tpu.memory_space<vmem>>, vector<16xf32>,
      %add3A_490 = arith.constant 16 : i32
      %add3A_491 = arith.addi %mul3A_487, %add3A_490 : i32
      %get3A_492 = arith.index_cast %add3A_491 : i32 to index
      %get3A_493 = tpu.vector_load %arg12[%get3A_492] {strides = array<i32>} : memref<640xf32, #tpu.memory_space<vmem>>, vector<16xf32>,
      %add3A_494 = arith.constant 32 : i32
      %add3A_495 = arith.addi %mul3A_487, %add3A_494 : i32
      %get3A_496 = arith.index_cast %add3A_495 : i32 to index
      %get3A_497 = tpu.vector_load %arg12[%get3A_496] {strides = array<i32>} : memref<640xf32, #tpu.memory_space<vmem>>, vector<16xf32>,
      %add3A_498 = arith.constant 48 : i32
      %add3A_499 = arith.addi %mul3A_487, %add3A_498 : i32
      %get3A_500 = arith.index_cast %add3A_499 : i32 to index
      %get3A_501 = tpu.vector_load %arg12[%get3A_500] {strides = array<i32>} : memref<640xf32, #tpu.memory_space<vmem>>, vector<16xf32>,
      %add3A_502 = arith.constant 64 : i32
      %add3A_503 = arith.addi %mul3A_487, %add3A_502 : i32
      %get3A_504 = arith.index_cast %add3A_503 : i32 to index
      %get3A_505 = tpu.vector_load %arg12[%get3A_504] {strides = array<i32>} : memref<640xf32, #tpu.memory_space<vmem>>, vector<16xf32>,
      %mul3A_506 = arith.constant 16 : i32
      %mul3A_507 = arith.muli %scan3A_484, %mul3A_506 : i32
      %get3A_508 = arith.index_cast %mul3A_507 : i32 to index
      %get3A_509 = tpu.vector_load %arg8[%get3A_508] {strides = array<i32>} : memref<128xf32, #tpu.memory_space<vmem>>, vector<16xf32>,
      %scan3A_510 = arith.constant 0 : i32
      %scan3A_511 = arith.constant 8 : i32
      %scan3A_512 = arith.addi %scan3A_510, %scan3A_511 : i32
      %scan3A_513 = arith.constant 1 : i32
      %scan3A_514 = scf.for %scan3A_521 = %scan3A_510 to %scan3A_512 step %scan3A_513 iter_args(%scan3A_522 = %get3A_509) -> (vector<16xf32>)  : i32 {
        %mul3A_523 = arith.constant 16 : i32
        %mul3A_524 = arith.muli %scan3A_521, %mul3A_523 : i32
        %get3A_525 = arith.constant 0 : i32
        %get3A_526 = arith.index_cast %get3A_525 : i32 to index
        %get3A_527 = arith.index_cast %scan3A_484 : i32 to index
        %get3A_528 = arith.index_cast %mul3A_524 : i32 to index
        %get3A_529 = tpu.vector_load %arg7[%get3A_526, %get3A_527, %get3A_528] {strides = array<i32>} : memref<7x8x128xf32, #tpu.memory_space<vmem>>, vector<16xf32>,
        %get3A_530 = arith.constant 1 : i32
        %get3A_531 = arith.index_cast %get3A_530 : i32 to index
        %get3A_532 = arith.index_cast %scan3A_484 : i32 to index
        %get3A_533 = arith.index_cast %mul3A_524 : i32 to index
        %get3A_534 = tpu.vector_load %arg7[%get3A_531, %get3A_532, %get3A_533] {strides = array<i32>} : memref<7x8x128xf32, #tpu.memory_space<vmem>>, vector<16xf32>,
        %get3A_535 = arith.constant 2 : i32
        %get3A_536 = arith.index_cast %get3A_535 : i32 to index
        %get3A_537 = arith.index_cast %scan3A_484 : i32 to index
        %get3A_538 = arith.index_cast %mul3A_524 : i32 to index
        %get3A_539 = tpu.vector_load %arg7[%get3A_536, %get3A_537, %get3A_538] {strides = array<i32>} : memref<7x8x128xf32, #tpu.memory_space<vmem>>, vector<16xf32>,
        %get3A_540 = arith.constant 3 : i32
        %get3A_541 = arith.index_cast %get3A_540 : i32 to index
        %get3A_542 = arith.index_cast %scan3A_484 : i32 to index
        %get3A_543 = arith.index_cast %mul3A_524 : i32 to index
        %get3A_544 = tpu.vector_load %arg7[%get3A_541, %get3A_542, %get3A_543] {strides = array<i32>} : memref<7x8x128xf32, #tpu.memory_space<vmem>>, vector<16xf32>,
        %get3A_545 = arith.constant 4 : i32
        %get3A_546 = arith.index_cast %get3A_545 : i32 to index
        %get3A_547 = arith.index_cast %scan3A_484 : i32 to index
        %get3A_548 = arith.index_cast %mul3A_524 : i32 to index
        %get3A_549 = tpu.vector_load %arg7[%get3A_546, %get3A_547, %get3A_548] {strides = array<i32>} : memref<7x8x128xf32, #tpu.memory_space<vmem>>, vector<16xf32>,
        %get3A_550 = arith.constant 6 : i32
        %get3A_551 = arith.index_cast %get3A_550 : i32 to index
        %get3A_552 = arith.index_cast %scan3A_484 : i32 to index
        %get3A_553 = arith.index_cast %mul3A_524 : i32 to index
        %get3A_554 = tpu.vector_load %arg7[%get3A_551, %get3A_552, %get3A_553] {strides = array<i32>} : memref<7x8x128xf32, #tpu.memory_space<vmem>>, vector<16xf32>,
        %div3A = arith.constant 2.000000e+00 : f32
        %div3A_555 = vector.broadcast %div3A : f32 to vector<16xf32>
        %div3A_556 = arith.divf %get3A_539, %div3A_555 : vector<16xf32>
        %sub3A_557 = arith.subf %get3A_529, %div3A_556 : vector<16xf32>
        %mul3A_558 = arith.constant 6.400000e+02 : f32
        %mul3A_559 = vector.broadcast %mul3A_558 : f32 to vector<16xf32>
        %mul3A_560 = arith.mulf %sub3A_557, %mul3A_559 : vector<16xf32>
        %div3A_561 = arith.constant 2.000000e+00 : f32
        %div3A_562 = vector.broadcast %div3A_561 : f32 to vector<16xf32>
        %div3A_563 = arith.divf %get3A_544, %div3A_562 : vector<16xf32>
        %sub3A_564 = arith.subf %get3A_534, %div3A_563 : vector<16xf32>
        %mul3A_565 = arith.constant 6.400000e+02 : f32
        %mul3A_566 = vector.broadcast %mul3A_565 : f32 to vector<16xf32>
        %mul3A_567 = arith.mulf %sub3A_564, %mul3A_566 : vector<16xf32>
        %div3A_568 = arith.constant 2.000000e+00 : f32
        %div3A_569 = vector.broadcast %div3A_568 : f32 to vector<16xf32>
        %div3A_570 = arith.divf %get3A_539, %div3A_569 : vector<16xf32>
        %add3A_571 = arith.addf %get3A_529, %div3A_570 : vector<16xf32>
        %mul3A_572 = arith.constant 6.400000e+02 : f32
        %mul3A_573 = vector.broadcast %mul3A_572 : f32 to vector<16xf32>
        %mul3A_574 = arith.mulf %add3A_571, %mul3A_573 : vector<16xf32>
        %div3A_575 = arith.constant 2.000000e+00 : f32
        %div3A_576 = vector.broadcast %div3A_575 : f32 to vector<16xf32>
        %div3A_577 = arith.divf %get3A_544, %div3A_576 : vector<16xf32>
        %add3A_578 = arith.addf %get3A_534, %div3A_577 : vector<16xf32>
        %mul3A_579 = arith.constant 6.400000e+02 : f32
        %mul3A_580 = vector.broadcast %mul3A_579 : f32 to vector<16xf32>
        %mul3A_581 = arith.mulf %add3A_578, %mul3A_580 : vector<16xf32>
        %max3A = arith.maximumf %mul3A_560, %get3A_489 : vector<16xf32>
        %max3A_582 = arith.maximumf %mul3A_567, %get3A_493 : vector<16xf32>
        %min3A_583 = arith.minimumf %mul3A_574, %get3A_497 : vector<16xf32>
        %min3A_584 = arith.minimumf %mul3A_581, %get3A_501 : vector<16xf32>
        %sub3A_585 = arith.subf %min3A_583, %max3A : vector<16xf32>
        %max3A_586 = arith.constant 0.000000e+00 : f32
        %max3A_587 = vector.broadcast %max3A_586 : f32 to vector<16xf32>
        %max3A_588 = arith.maximumf %sub3A_585, %max3A_587 : vector<16xf32>
        %sub3A_589 = arith.subf %min3A_584, %max3A_582 : vector<16xf32>
        %max3A_590 = arith.constant 0.000000e+00 : f32
        %max3A_591 = vector.broadcast %max3A_590 : f32 to vector<16xf32>
        %max3A_592 = arith.maximumf %sub3A_589, %max3A_591 : vector<16xf32>
        %mul3A_593 = arith.mulf %max3A_588, %max3A_592 : vector<16xf32>
        %sub3A_594 = arith.subf %mul3A_574, %mul3A_560 : vector<16xf32>
        %sub3A_595 = arith.subf %mul3A_581, %mul3A_567 : vector<16xf32>
        %mul3A_596 = arith.mulf %sub3A_594, %sub3A_595 : vector<16xf32>
        %add3A_597 = arith.addf %mul3A_596, %get3A_505 : vector<16xf32>
        %sub3A_598 = arith.subf %add3A_597, %mul3A_593 : vector<16xf32>
        %gt3A = arith.constant 2.000000e-01 : f32
        %gt3A_599 = vector.broadcast %gt3A : f32 to vector<16xf32>
        %gt3A_600 = arith.cmpf ogt, %get3A_549, %gt3A_599 : vector<16xf32>
        %mul3A_601 = arith.mulf %get3A_2, %sub3A_598 : vector<16xf32>
        %ge3A = arith.cmpf oge, %mul3A_593, %mul3A_601 : vector<16xf32>
        %and3A = arith.andi %gt3A_600, %ge3A : vector<16xi1>
        %convert_element_type3A = arith.fptosi %get3A_554 : vector<16xf32> to vector<16xi32>
        %eq3A_602 = arith.constant 0 : i32
        %eq3A_603 = vector.broadcast %eq3A_602 : i32 to vector<16xi32>
        %eq3A_604 = arith.cmpi eq, %convert_element_type3A, %eq3A_603 : vector<16xi32>
        %and3A_605 = arith.andi %and3A, %eq3A_604 : vector<16xi1>
        %add3A_606 = vector.broadcast %mul3A_524 : i32 to vector<16xi32>
        %add3A_607 = arith.addi %add3A_297, %add3A_606 : vector<16xi32>
        %lt3A = arith.constant 20000 : i32
        %lt3A_608 = vector.broadcast %lt3A : i32 to vector<16xi32>
        %lt3A_609 = arith.cmpi slt, %add3A_607, %lt3A_608 : vector<16xi32>
        %and3A_610 = arith.andi %and3A_605, %lt3A_609 : vector<16xi1>
        %jit3A = arith.constant -1.000000e+30 : f32
        %broadcast_in_dim3A_611 = vector.broadcast %jit3A : f32 to vector<16xf32>
        %select_n3A_612 = arith.select %and3A_610, %get3A_549, %broadcast_in_dim3A_611 : vector<16xi1>, vector<16xf32>
        %max3A_613 = arith.maximumf %scan3A_522, %select_n3A_612 : vector<16xf32>
        scf.yield %max3A_613 : vector<16xf32>
      }
      %scan3A_515 = arith.constant 8 : i32
      %mul3A_516 = arith.constant 16 : i32
      %mul3A_517 = arith.muli %scan3A_484, %mul3A_516 : i32
      %swap3A_518 = arith.index_cast %mul3A_517 : i32 to index
      %swap3A_519 = tpu.vector_load %arg8[%swap3A_518] {strides = array<i32>} : memref<128xf32, #tpu.memory_space<vmem>>, vector<16xf32>,
      tpu.vector_store %arg8[%swap3A_518], %scan3A_514 {strides = array<i32>} : memref<128xf32, #tpu.memory_space<vmem>>, vector<16xf32>,
      %scan3A_520 = arith.constant 0 : i32
      scf.yield %scan3A_520 : i32
    }
    %scan3A_304 = arith.constant 8 : i32
    %add3A_305 = arith.constant 96 : i32
    %add3A_306 = arith.addi %add3A_305, %add3A : i32
    %min3A_307 = arith.constant 156 : i32
    %min3A_308 = arith.minsi %add3A_306, %min3A_307 : i32
    %mul3A_309 = arith.constant 128 : i32
    %mul3A_310 = arith.muli %min3A_308, %mul3A_309 : i32
    %multiple_of3A_311 = tpu.assume_multiple %mul3A_310, 128 : i32
    %dma_start3A_312 = arith.constant 0 : i32
    %dma_start3A_313 = arith.constant 0 : i32
    %dma_start3A_314 = tpu.memref_slice %arg2[%dma_start3A_312, %dma_start3A_313, %multiple_of3A_311] : memref<7x8x20000xf32, #tpu.memory_space<hbm>> -> memref<7x8x128xf32, #tpu.memory_space<hbm>>
    %dma_start3A_315 = arith.constant 0 : i32
    %dma_start3A_316 = arith.constant 0 : i32
    %dma_start3A_317 = tpu.memref_slice %arg2[%dma_start3A_315, %dma_start3A_316, %multiple_of3A_311] : memref<7x8x20000xf32, #tpu.memory_space<hbm>> -> memref<7x8x128xf32, #tpu.memory_space<hbm>>
    tpu.enqueue_dma source(%dma_start3A_317 : memref<7x8x128xf32, #tpu.memory_space<hbm>>) target(%arg7 : memref<7x8x128xf32, #tpu.memory_space<vmem>>) target_semaphore(%arg14 : memref<!tpu.dma_semaphore, #tpu.memory_space<semaphore_mem>>)
    %dma_wait3A_318 = arith.constant 0 : i32
    %dma_wait3A_319 = arith.constant 0 : i32
    %dma_wait3A_320 = tpu.memref_slice %arg2[%dma_wait3A_318, %dma_wait3A_319, %multiple_of3A_276] : memref<7x8x20000xf32, #tpu.memory_space<hbm>> -> memref<7x8x128xf32, #tpu.memory_space<hbm>>
    %dma_wait3A_321 = arith.constant 0 : i32
    %dma_wait3A_322 = arith.constant 0 : i32
    %dma_wait3A_323 = tpu.memref_slice %arg2[%dma_wait3A_321, %dma_wait3A_322, %multiple_of3A_276] : memref<7x8x20000xf32, #tpu.memory_space<hbm>> -> memref<7x8x128xf32, #tpu.memory_space<hbm>>
    tpu.wait_dma2 semaphore(%arg13 : memref<!tpu.dma_semaphore, #tpu.memory_space<semaphore_mem>>) src(%dma_wait3A_323 : memref<7x8x128xf32, #tpu.memory_space<hbm>>) dst(%arg6 : memref<7x8x128xf32, #tpu.memory_space<vmem>>)
    %add3A_324 = arith.constant 64 : i32
    %add3A_325 = arith.addi %add3A_324, %add3A : i32
    %min3A_326 = arith.constant 156 : i32
    %min3A_327 = arith.minsi %add3A_325, %min3A_326 : i32
    %mul3A_328 = arith.constant 128 : i32
    %mul3A_329 = arith.muli %min3A_327, %mul3A_328 : i32
    %multiple_of3A_330 = tpu.assume_multiple %mul3A_329, 128 : i32
    %add3A_331 = vector.broadcast %multiple_of3A_330 : i32 to vector<16xi32>
    %add3A_332 = arith.addi %iota3A, %add3A_331 : vector<16xi32>
    %scan3A_333 = arith.constant 0 : i32
    %scan3A_334 = arith.constant 0 : i32
    %scan3A_335 = arith.constant 8 : i32
    %scan3A_336 = arith.addi %scan3A_334, %scan3A_335 : i32
    %scan3A_337 = arith.constant 1 : i32
    %scan3A_338 = scf.for %scan3A_484 = %scan3A_334 to %scan3A_336 step %scan3A_337 iter_args(%scan3A_485 = %scan3A_333) -> (i32)  : i32 {
      %mul3A_486 = arith.constant 80 : i32
      %mul3A_487 = arith.muli %scan3A_484, %mul3A_486 : i32
      %get3A_488 = arith.index_cast %mul3A_487 : i32 to index
      %get3A_489 = tpu.vector_load %arg12[%get3A_488] {strides = array<i32>} : memref<640xf32, #tpu.memory_space<vmem>>, vector<16xf32>,
      %add3A_490 = arith.constant 16 : i32
      %add3A_491 = arith.addi %mul3A_487, %add3A_490 : i32
      %get3A_492 = arith.index_cast %add3A_491 : i32 to index
      %get3A_493 = tpu.vector_load %arg12[%get3A_492] {strides = array<i32>} : memref<640xf32, #tpu.memory_space<vmem>>, vector<16xf32>,
      %add3A_494 = arith.constant 32 : i32
      %add3A_495 = arith.addi %mul3A_487, %add3A_494 : i32
      %get3A_496 = arith.index_cast %add3A_495 : i32 to index
      %get3A_497 = tpu.vector_load %arg12[%get3A_496] {strides = array<i32>} : memref<640xf32, #tpu.memory_space<vmem>>, vector<16xf32>,
      %add3A_498 = arith.constant 48 : i32
      %add3A_499 = arith.addi %mul3A_487, %add3A_498 : i32
      %get3A_500 = arith.index_cast %add3A_499 : i32 to index
      %get3A_501 = tpu.vector_load %arg12[%get3A_500] {strides = array<i32>} : memref<640xf32, #tpu.memory_space<vmem>>, vector<16xf32>,
      %add3A_502 = arith.constant 64 : i32
      %add3A_503 = arith.addi %mul3A_487, %add3A_502 : i32
      %get3A_504 = arith.index_cast %add3A_503 : i32 to index
      %get3A_505 = tpu.vector_load %arg12[%get3A_504] {strides = array<i32>} : memref<640xf32, #tpu.memory_space<vmem>>, vector<16xf32>,
      %mul3A_506 = arith.constant 16 : i32
      %mul3A_507 = arith.muli %scan3A_484, %mul3A_506 : i32
      %get3A_508 = arith.index_cast %mul3A_507 : i32 to index
      %get3A_509 = tpu.vector_load %arg8[%get3A_508] {strides = array<i32>} : memref<128xf32, #tpu.memory_space<vmem>>, vector<16xf32>,
      %scan3A_510 = arith.constant 0 : i32
      %scan3A_511 = arith.constant 8 : i32
      %scan3A_512 = arith.addi %scan3A_510, %scan3A_511 : i32
      %scan3A_513 = arith.constant 1 : i32
      %scan3A_514 = scf.for %scan3A_521 = %scan3A_510 to %scan3A_512 step %scan3A_513 iter_args(%scan3A_522 = %get3A_509) -> (vector<16xf32>)  : i32 {
        %mul3A_523 = arith.constant 16 : i32
        %mul3A_524 = arith.muli %scan3A_521, %mul3A_523 : i32
        %get3A_525 = arith.constant 0 : i32
        %get3A_526 = arith.index_cast %get3A_525 : i32 to index
        %get3A_527 = arith.index_cast %scan3A_484 : i32 to index
        %get3A_528 = arith.index_cast %mul3A_524 : i32 to index
        %get3A_529 = tpu.vector_load %arg6[%get3A_526, %get3A_527, %get3A_528] {strides = array<i32>} : memref<7x8x128xf32, #tpu.memory_space<vmem>>, vector<16xf32>,
        %get3A_530 = arith.constant 1 : i32
        %get3A_531 = arith.index_cast %get3A_530 : i32 to index
        %get3A_532 = arith.index_cast %scan3A_484 : i32 to index
        %get3A_533 = arith.index_cast %mul3A_524 : i32 to index
        %get3A_534 = tpu.vector_load %arg6[%get3A_531, %get3A_532, %get3A_533] {strides = array<i32>} : memref<7x8x128xf32, #tpu.memory_space<vmem>>, vector<16xf32>,
        %get3A_535 = arith.constant 2 : i32
        %get3A_536 = arith.index_cast %get3A_535 : i32 to index
        %get3A_537 = arith.index_cast %scan3A_484 : i32 to index
        %get3A_538 = arith.index_cast %mul3A_524 : i32 to index
        %get3A_539 = tpu.vector_load %arg6[%get3A_536, %get3A_537, %get3A_538] {strides = array<i32>} : memref<7x8x128xf32, #tpu.memory_space<vmem>>, vector<16xf32>,
        %get3A_540 = arith.constant 3 : i32
        %get3A_541 = arith.index_cast %get3A_540 : i32 to index
        %get3A_542 = arith.index_cast %scan3A_484 : i32 to index
        %get3A_543 = arith.index_cast %mul3A_524 : i32 to index
        %get3A_544 = tpu.vector_load %arg6[%get3A_541, %get3A_542, %get3A_543] {strides = array<i32>} : memref<7x8x128xf32, #tpu.memory_space<vmem>>, vector<16xf32>,
        %get3A_545 = arith.constant 4 : i32
        %get3A_546 = arith.index_cast %get3A_545 : i32 to index
        %get3A_547 = arith.index_cast %scan3A_484 : i32 to index
        %get3A_548 = arith.index_cast %mul3A_524 : i32 to index
        %get3A_549 = tpu.vector_load %arg6[%get3A_546, %get3A_547, %get3A_548] {strides = array<i32>} : memref<7x8x128xf32, #tpu.memory_space<vmem>>, vector<16xf32>,
        %get3A_550 = arith.constant 6 : i32
        %get3A_551 = arith.index_cast %get3A_550 : i32 to index
        %get3A_552 = arith.index_cast %scan3A_484 : i32 to index
        %get3A_553 = arith.index_cast %mul3A_524 : i32 to index
        %get3A_554 = tpu.vector_load %arg6[%get3A_551, %get3A_552, %get3A_553] {strides = array<i32>} : memref<7x8x128xf32, #tpu.memory_space<vmem>>, vector<16xf32>,
        %div3A = arith.constant 2.000000e+00 : f32
        %div3A_555 = vector.broadcast %div3A : f32 to vector<16xf32>
        %div3A_556 = arith.divf %get3A_539, %div3A_555 : vector<16xf32>
        %sub3A_557 = arith.subf %get3A_529, %div3A_556 : vector<16xf32>
        %mul3A_558 = arith.constant 6.400000e+02 : f32
        %mul3A_559 = vector.broadcast %mul3A_558 : f32 to vector<16xf32>
        %mul3A_560 = arith.mulf %sub3A_557, %mul3A_559 : vector<16xf32>
        %div3A_561 = arith.constant 2.000000e+00 : f32
        %div3A_562 = vector.broadcast %div3A_561 : f32 to vector<16xf32>
        %div3A_563 = arith.divf %get3A_544, %div3A_562 : vector<16xf32>
        %sub3A_564 = arith.subf %get3A_534, %div3A_563 : vector<16xf32>
        %mul3A_565 = arith.constant 6.400000e+02 : f32
        %mul3A_566 = vector.broadcast %mul3A_565 : f32 to vector<16xf32>
        %mul3A_567 = arith.mulf %sub3A_564, %mul3A_566 : vector<16xf32>
        %div3A_568 = arith.constant 2.000000e+00 : f32
        %div3A_569 = vector.broadcast %div3A_568 : f32 to vector<16xf32>
        %div3A_570 = arith.divf %get3A_539, %div3A_569 : vector<16xf32>
        %add3A_571 = arith.addf %get3A_529, %div3A_570 : vector<16xf32>
        %mul3A_572 = arith.constant 6.400000e+02 : f32
        %mul3A_573 = vector.broadcast %mul3A_572 : f32 to vector<16xf32>
        %mul3A_574 = arith.mulf %add3A_571, %mul3A_573 : vector<16xf32>
        %div3A_575 = arith.constant 2.000000e+00 : f32
        %div3A_576 = vector.broadcast %div3A_575 : f32 to vector<16xf32>
        %div3A_577 = arith.divf %get3A_544, %div3A_576 : vector<16xf32>
        %add3A_578 = arith.addf %get3A_534, %div3A_577 : vector<16xf32>
        %mul3A_579 = arith.constant 6.400000e+02 : f32
        %mul3A_580 = vector.broadcast %mul3A_579 : f32 to vector<16xf32>
        %mul3A_581 = arith.mulf %add3A_578, %mul3A_580 : vector<16xf32>
        %max3A = arith.maximumf %mul3A_560, %get3A_489 : vector<16xf32>
        %max3A_582 = arith.maximumf %mul3A_567, %get3A_493 : vector<16xf32>
        %min3A_583 = arith.minimumf %mul3A_574, %get3A_497 : vector<16xf32>
        %min3A_584 = arith.minimumf %mul3A_581, %get3A_501 : vector<16xf32>
        %sub3A_585 = arith.subf %min3A_583, %max3A : vector<16xf32>
        %max3A_586 = arith.constant 0.000000e+00 : f32
        %max3A_587 = vector.broadcast %max3A_586 : f32 to vector<16xf32>
        %max3A_588 = arith.maximumf %sub3A_585, %max3A_587 : vector<16xf32>
        %sub3A_589 = arith.subf %min3A_584, %max3A_582 : vector<16xf32>
        %max3A_590 = arith.constant 0.000000e+00 : f32
        %max3A_591 = vector.broadcast %max3A_590 : f32 to vector<16xf32>
        %max3A_592 = arith.maximumf %sub3A_589, %max3A_591 : vector<16xf32>
        %mul3A_593 = arith.mulf %max3A_588, %max3A_592 : vector<16xf32>
        %sub3A_594 = arith.subf %mul3A_574, %mul3A_560 : vector<16xf32>
        %sub3A_595 = arith.subf %mul3A_581, %mul3A_567 : vector<16xf32>
        %mul3A_596 = arith.mulf %sub3A_594, %sub3A_595 : vector<16xf32>
        %add3A_597 = arith.addf %mul3A_596, %get3A_505 : vector<16xf32>
        %sub3A_598 = arith.subf %add3A_597, %mul3A_593 : vector<16xf32>
        %gt3A = arith.constant 2.000000e-01 : f32
        %gt3A_599 = vector.broadcast %gt3A : f32 to vector<16xf32>
        %gt3A_600 = arith.cmpf ogt, %get3A_549, %gt3A_599 : vector<16xf32>
        %mul3A_601 = arith.mulf %get3A_2, %sub3A_598 : vector<16xf32>
        %ge3A = arith.cmpf oge, %mul3A_593, %mul3A_601 : vector<16xf32>
        %and3A = arith.andi %gt3A_600, %ge3A : vector<16xi1>
        %convert_element_type3A = arith.fptosi %get3A_554 : vector<16xf32> to vector<16xi32>
        %eq3A_602 = arith.constant 0 : i32
        %eq3A_603 = vector.broadcast %eq3A_602 : i32 to vector<16xi32>
        %eq3A_604 = arith.cmpi eq, %convert_element_type3A, %eq3A_603 : vector<16xi32>
        %and3A_605 = arith.andi %and3A, %eq3A_604 : vector<16xi1>
        %add3A_606 = vector.broadcast %mul3A_524 : i32 to vector<16xi32>
        %add3A_607 = arith.addi %add3A_332, %add3A_606 : vector<16xi32>
        %lt3A = arith.constant 20000 : i32
        %lt3A_608 = vector.broadcast %lt3A : i32 to vector<16xi32>
        %lt3A_609 = arith.cmpi slt, %add3A_607, %lt3A_608 : vector<16xi32>
        %and3A_610 = arith.andi %and3A_605, %lt3A_609 : vector<16xi1>
        %jit3A = arith.constant -1.000000e+30 : f32
        %broadcast_in_dim3A_611 = vector.broadcast %jit3A : f32 to vector<16xf32>
        %select_n3A_612 = arith.select %and3A_610, %get3A_549, %broadcast_in_dim3A_611 : vector<16xi1>, vector<16xf32>
        %max3A_613 = arith.maximumf %scan3A_522, %select_n3A_612 : vector<16xf32>
        scf.yield %max3A_613 : vector<16xf32>
      }
      %scan3A_515 = arith.constant 8 : i32
      %mul3A_516 = arith.constant 16 : i32
      %mul3A_517 = arith.muli %scan3A_484, %mul3A_516 : i32
      %swap3A_518 = arith.index_cast %mul3A_517 : i32 to index
      %swap3A_519 = tpu.vector_load %arg8[%swap3A_518] {strides = array<i32>} : memref<128xf32, #tpu.memory_space<vmem>>, vector<16xf32>,
      tpu.vector_store %arg8[%swap3A_518], %scan3A_514 {strides = array<i32>} : memref<128xf32, #tpu.memory_space<vmem>>, vector<16xf32>,
      %scan3A_520 = arith.constant 0 : i32
      scf.yield %scan3A_520 : i32
    }
    %scan3A_339 = arith.constant 8 : i32
    %add3A_340 = arith.constant 128 : i32
    %add3A_341 = arith.addi %add3A_340, %add3A : i32
    %min3A_342 = arith.constant 156 : i32
    %min3A_343 = arith.minsi %add3A_341, %min3A_342 : i32
    %mul3A_344 = arith.constant 128 : i32
    %mul3A_345 = arith.muli %min3A_343, %mul3A_344 : i32
    %multiple_of3A_346 = tpu.assume_multiple %mul3A_345, 128 : i32
    %dma_start3A_347 = arith.constant 0 : i32
    %dma_start3A_348 = arith.constant 0 : i32
    %dma_start3A_349 = tpu.memref_slice %arg2[%dma_start3A_347, %dma_start3A_348, %multiple_of3A_346] : memref<7x8x20000xf32, #tpu.memory_space<hbm>> -> memref<7x8x128xf32, #tpu.memory_space<hbm>>
    %dma_start3A_350 = arith.constant 0 : i32
    %dma_start3A_351 = arith.constant 0 : i32
    %dma_start3A_352 = tpu.memref_slice %arg2[%dma_start3A_350, %dma_start3A_351, %multiple_of3A_346] : memref<7x8x20000xf32, #tpu.memory_space<hbm>> -> memref<7x8x128xf32, #tpu.memory_space<hbm>>
    tpu.enqueue_dma source(%dma_start3A_352 : memref<7x8x128xf32, #tpu.memory_space<hbm>>) target(%arg6 : memref<7x8x128xf32, #tpu.memory_space<vmem>>) target_semaphore(%arg13 : memref<!tpu.dma_semaphore, #tpu.memory_space<semaphore_mem>>)
    %dma_wait3A_353 = arith.constant 0 : i32
    %dma_wait3A_354 = arith.constant 0 : i32
    %dma_wait3A_355 = tpu.memref_slice %arg2[%dma_wait3A_353, %dma_wait3A_354, %multiple_of3A_311] : memref<7x8x20000xf32, #tpu.memory_space<hbm>> -> memref<7x8x128xf32, #tpu.memory_space<hbm>>
    %dma_wait3A_356 = arith.constant 0 : i32
    %dma_wait3A_357 = arith.constant 0 : i32
    %dma_wait3A_358 = tpu.memref_slice %arg2[%dma_wait3A_356, %dma_wait3A_357, %multiple_of3A_311] : memref<7x8x20000xf32, #tpu.memory_space<hbm>> -> memref<7x8x128xf32, #tpu.memory_space<hbm>>
    tpu.wait_dma2 semaphore(%arg14 : memref<!tpu.dma_semaphore, #tpu.memory_space<semaphore_mem>>) src(%dma_wait3A_358 : memref<7x8x128xf32, #tpu.memory_space<hbm>>) dst(%arg7 : memref<7x8x128xf32, #tpu.memory_space<vmem>>)
    %add3A_359 = arith.constant 96 : i32
    %add3A_360 = arith.addi %add3A_359, %add3A : i32
    %min3A_361 = arith.constant 156 : i32
    %min3A_362 = arith.minsi %add3A_360, %min3A_361 : i32
    %mul3A_363 = arith.constant 128 : i32
    %mul3A_364 = arith.muli %min3A_362, %mul3A_363 : i32
    %multiple_of3A_365 = tpu.assume_multiple %mul3A_364, 128 : i32
    %add3A_366 = vector.broadcast %multiple_of3A_365 : i32 to vector<16xi32>
    %add3A_367 = arith.addi %iota3A, %add3A_366 : vector<16xi32>
    %scan3A_368 = arith.constant 0 : i32
    %scan3A_369 = arith.constant 0 : i32
    %scan3A_370 = arith.constant 8 : i32
    %scan3A_371 = arith.addi %scan3A_369, %scan3A_370 : i32
    %scan3A_372 = arith.constant 1 : i32
    %scan3A_373 = scf.for %scan3A_484 = %scan3A_369 to %scan3A_371 step %scan3A_372 iter_args(%scan3A_485 = %scan3A_368) -> (i32)  : i32 {
      %mul3A_486 = arith.constant 80 : i32
      %mul3A_487 = arith.muli %scan3A_484, %mul3A_486 : i32
      %get3A_488 = arith.index_cast %mul3A_487 : i32 to index
      %get3A_489 = tpu.vector_load %arg12[%get3A_488] {strides = array<i32>} : memref<640xf32, #tpu.memory_space<vmem>>, vector<16xf32>,
      %add3A_490 = arith.constant 16 : i32
      %add3A_491 = arith.addi %mul3A_487, %add3A_490 : i32
      %get3A_492 = arith.index_cast %add3A_491 : i32 to index
      %get3A_493 = tpu.vector_load %arg12[%get3A_492] {strides = array<i32>} : memref<640xf32, #tpu.memory_space<vmem>>, vector<16xf32>,
      %add3A_494 = arith.constant 32 : i32
      %add3A_495 = arith.addi %mul3A_487, %add3A_494 : i32
      %get3A_496 = arith.index_cast %add3A_495 : i32 to index
      %get3A_497 = tpu.vector_load %arg12[%get3A_496] {strides = array<i32>} : memref<640xf32, #tpu.memory_space<vmem>>, vector<16xf32>,
      %add3A_498 = arith.constant 48 : i32
      %add3A_499 = arith.addi %mul3A_487, %add3A_498 : i32
      %get3A_500 = arith.index_cast %add3A_499 : i32 to index
      %get3A_501 = tpu.vector_load %arg12[%get3A_500] {strides = array<i32>} : memref<640xf32, #tpu.memory_space<vmem>>, vector<16xf32>,
      %add3A_502 = arith.constant 64 : i32
      %add3A_503 = arith.addi %mul3A_487, %add3A_502 : i32
      %get3A_504 = arith.index_cast %add3A_503 : i32 to index
      %get3A_505 = tpu.vector_load %arg12[%get3A_504] {strides = array<i32>} : memref<640xf32, #tpu.memory_space<vmem>>, vector<16xf32>,
      %mul3A_506 = arith.constant 16 : i32
      %mul3A_507 = arith.muli %scan3A_484, %mul3A_506 : i32
      %get3A_508 = arith.index_cast %mul3A_507 : i32 to index
      %get3A_509 = tpu.vector_load %arg8[%get3A_508] {strides = array<i32>} : memref<128xf32, #tpu.memory_space<vmem>>, vector<16xf32>,
      %scan3A_510 = arith.constant 0 : i32
      %scan3A_511 = arith.constant 8 : i32
      %scan3A_512 = arith.addi %scan3A_510, %scan3A_511 : i32
      %scan3A_513 = arith.constant 1 : i32
      %scan3A_514 = scf.for %scan3A_521 = %scan3A_510 to %scan3A_512 step %scan3A_513 iter_args(%scan3A_522 = %get3A_509) -> (vector<16xf32>)  : i32 {
        %mul3A_523 = arith.constant 16 : i32
        %mul3A_524 = arith.muli %scan3A_521, %mul3A_523 : i32
        %get3A_525 = arith.constant 0 : i32
        %get3A_526 = arith.index_cast %get3A_525 : i32 to index
        %get3A_527 = arith.index_cast %scan3A_484 : i32 to index
        %get3A_528 = arith.index_cast %mul3A_524 : i32 to index
        %get3A_529 = tpu.vector_load %arg7[%get3A_526, %get3A_527, %get3A_528] {strides = array<i32>} : memref<7x8x128xf32, #tpu.memory_space<vmem>>, vector<16xf32>,
        %get3A_530 = arith.constant 1 : i32
        %get3A_531 = arith.index_cast %get3A_530 : i32 to index
        %get3A_532 = arith.index_cast %scan3A_484 : i32 to index
        %get3A_533 = arith.index_cast %mul3A_524 : i32 to index
        %get3A_534 = tpu.vector_load %arg7[%get3A_531, %get3A_532, %get3A_533] {strides = array<i32>} : memref<7x8x128xf32, #tpu.memory_space<vmem>>, vector<16xf32>,
        %get3A_535 = arith.constant 2 : i32
        %get3A_536 = arith.index_cast %get3A_535 : i32 to index
        %get3A_537 = arith.index_cast %scan3A_484 : i32 to index
        %get3A_538 = arith.index_cast %mul3A_524 : i32 to index
        %get3A_539 = tpu.vector_load %arg7[%get3A_536, %get3A_537, %get3A_538] {strides = array<i32>} : memref<7x8x128xf32, #tpu.memory_space<vmem>>, vector<16xf32>,
        %get3A_540 = arith.constant 3 : i32
        %get3A_541 = arith.index_cast %get3A_540 : i32 to index
        %get3A_542 = arith.index_cast %scan3A_484 : i32 to index
        %get3A_543 = arith.index_cast %mul3A_524 : i32 to index
        %get3A_544 = tpu.vector_load %arg7[%get3A_541, %get3A_542, %get3A_543] {strides = array<i32>} : memref<7x8x128xf32, #tpu.memory_space<vmem>>, vector<16xf32>,
        %get3A_545 = arith.constant 4 : i32
        %get3A_546 = arith.index_cast %get3A_545 : i32 to index
        %get3A_547 = arith.index_cast %scan3A_484 : i32 to index
        %get3A_548 = arith.index_cast %mul3A_524 : i32 to index
        %get3A_549 = tpu.vector_load %arg7[%get3A_546, %get3A_547, %get3A_548] {strides = array<i32>} : memref<7x8x128xf32, #tpu.memory_space<vmem>>, vector<16xf32>,
        %get3A_550 = arith.constant 6 : i32
        %get3A_551 = arith.index_cast %get3A_550 : i32 to index
        %get3A_552 = arith.index_cast %scan3A_484 : i32 to index
        %get3A_553 = arith.index_cast %mul3A_524 : i32 to index
        %get3A_554 = tpu.vector_load %arg7[%get3A_551, %get3A_552, %get3A_553] {strides = array<i32>} : memref<7x8x128xf32, #tpu.memory_space<vmem>>, vector<16xf32>,
        %div3A = arith.constant 2.000000e+00 : f32
        %div3A_555 = vector.broadcast %div3A : f32 to vector<16xf32>
        %div3A_556 = arith.divf %get3A_539, %div3A_555 : vector<16xf32>
        %sub3A_557 = arith.subf %get3A_529, %div3A_556 : vector<16xf32>
        %mul3A_558 = arith.constant 6.400000e+02 : f32
        %mul3A_559 = vector.broadcast %mul3A_558 : f32 to vector<16xf32>
        %mul3A_560 = arith.mulf %sub3A_557, %mul3A_559 : vector<16xf32>
        %div3A_561 = arith.constant 2.000000e+00 : f32
        %div3A_562 = vector.broadcast %div3A_561 : f32 to vector<16xf32>
        %div3A_563 = arith.divf %get3A_544, %div3A_562 : vector<16xf32>
        %sub3A_564 = arith.subf %get3A_534, %div3A_563 : vector<16xf32>
        %mul3A_565 = arith.constant 6.400000e+02 : f32
        %mul3A_566 = vector.broadcast %mul3A_565 : f32 to vector<16xf32>
        %mul3A_567 = arith.mulf %sub3A_564, %mul3A_566 : vector<16xf32>
        %div3A_568 = arith.constant 2.000000e+00 : f32
        %div3A_569 = vector.broadcast %div3A_568 : f32 to vector<16xf32>
        %div3A_570 = arith.divf %get3A_539, %div3A_569 : vector<16xf32>
        %add3A_571 = arith.addf %get3A_529, %div3A_570 : vector<16xf32>
        %mul3A_572 = arith.constant 6.400000e+02 : f32
        %mul3A_573 = vector.broadcast %mul3A_572 : f32 to vector<16xf32>
        %mul3A_574 = arith.mulf %add3A_571, %mul3A_573 : vector<16xf32>
        %div3A_575 = arith.constant 2.000000e+00 : f32
        %div3A_576 = vector.broadcast %div3A_575 : f32 to vector<16xf32>
        %div3A_577 = arith.divf %get3A_544, %div3A_576 : vector<16xf32>
        %add3A_578 = arith.addf %get3A_534, %div3A_577 : vector<16xf32>
        %mul3A_579 = arith.constant 6.400000e+02 : f32
        %mul3A_580 = vector.broadcast %mul3A_579 : f32 to vector<16xf32>
        %mul3A_581 = arith.mulf %add3A_578, %mul3A_580 : vector<16xf32>
        %max3A = arith.maximumf %mul3A_560, %get3A_489 : vector<16xf32>
        %max3A_582 = arith.maximumf %mul3A_567, %get3A_493 : vector<16xf32>
        %min3A_583 = arith.minimumf %mul3A_574, %get3A_497 : vector<16xf32>
        %min3A_584 = arith.minimumf %mul3A_581, %get3A_501 : vector<16xf32>
        %sub3A_585 = arith.subf %min3A_583, %max3A : vector<16xf32>
        %max3A_586 = arith.constant 0.000000e+00 : f32
        %max3A_587 = vector.broadcast %max3A_586 : f32 to vector<16xf32>
        %max3A_588 = arith.maximumf %sub3A_585, %max3A_587 : vector<16xf32>
        %sub3A_589 = arith.subf %min3A_584, %max3A_582 : vector<16xf32>
        %max3A_590 = arith.constant 0.000000e+00 : f32
        %max3A_591 = vector.broadcast %max3A_590 : f32 to vector<16xf32>
        %max3A_592 = arith.maximumf %sub3A_589, %max3A_591 : vector<16xf32>
        %mul3A_593 = arith.mulf %max3A_588, %max3A_592 : vector<16xf32>
        %sub3A_594 = arith.subf %mul3A_574, %mul3A_560 : vector<16xf32>
        %sub3A_595 = arith.subf %mul3A_581, %mul3A_567 : vector<16xf32>
        %mul3A_596 = arith.mulf %sub3A_594, %sub3A_595 : vector<16xf32>
        %add3A_597 = arith.addf %mul3A_596, %get3A_505 : vector<16xf32>
        %sub3A_598 = arith.subf %add3A_597, %mul3A_593 : vector<16xf32>
        %gt3A = arith.constant 2.000000e-01 : f32
        %gt3A_599 = vector.broadcast %gt3A : f32 to vector<16xf32>
        %gt3A_600 = arith.cmpf ogt, %get3A_549, %gt3A_599 : vector<16xf32>
        %mul3A_601 = arith.mulf %get3A_2, %sub3A_598 : vector<16xf32>
        %ge3A = arith.cmpf oge, %mul3A_593, %mul3A_601 : vector<16xf32>
        %and3A = arith.andi %gt3A_600, %ge3A : vector<16xi1>
        %convert_element_type3A = arith.fptosi %get3A_554 : vector<16xf32> to vector<16xi32>
        %eq3A_602 = arith.constant 0 : i32
        %eq3A_603 = vector.broadcast %eq3A_602 : i32 to vector<16xi32>
        %eq3A_604 = arith.cmpi eq, %convert_element_type3A, %eq3A_603 : vector<16xi32>
        %and3A_605 = arith.andi %and3A, %eq3A_604 : vector<16xi1>
        %add3A_606 = vector.broadcast %mul3A_524 : i32 to vector<16xi32>
        %add3A_607 = arith.addi %add3A_367, %add3A_606 : vector<16xi32>
        %lt3A = arith.constant 20000 : i32
        %lt3A_608 = vector.broadcast %lt3A : i32 to vector<16xi32>
        %lt3A_609 = arith.cmpi slt, %add3A_607, %lt3A_608 : vector<16xi32>
        %and3A_610 = arith.andi %and3A_605, %lt3A_609 : vector<16xi1>
        %jit3A = arith.constant -1.000000e+30 : f32
        %broadcast_in_dim3A_611 = vector.broadcast %jit3A : f32 to vector<16xf32>
        %select_n3A_612 = arith.select %and3A_610, %get3A_549, %broadcast_in_dim3A_611 : vector<16xi1>, vector<16xf32>
        %max3A_613 = arith.maximumf %scan3A_522, %select_n3A_612 : vector<16xf32>
        scf.yield %max3A_613 : vector<16xf32>
      }
      %scan3A_515 = arith.constant 8 : i32
      %mul3A_516 = arith.constant 16 : i32
      %mul3A_517 = arith.muli %scan3A_484, %mul3A_516 : i32
      %swap3A_518 = arith.index_cast %mul3A_517 : i32 to index
      %swap3A_519 = tpu.vector_load %arg8[%swap3A_518] {strides = array<i32>} : memref<128xf32, #tpu.memory_space<vmem>>, vector<16xf32>,
      tpu.vector_store %arg8[%swap3A_518], %scan3A_514 {strides = array<i32>} : memref<128xf32, #tpu.memory_space<vmem>>, vector<16xf32>,
      %scan3A_520 = arith.constant 0 : i32
      scf.yield %scan3A_520 : i32
    }
    %scan3A_374 = arith.constant 8 : i32
    %dma_wait3A_375 = arith.constant 0 : i32
    %dma_wait3A_376 = arith.constant 0 : i32
    %dma_wait3A_377 = tpu.memref_slice %arg2[%dma_wait3A_375, %dma_wait3A_376, %multiple_of3A_346] : memref<7x8x20000xf32, #tpu.memory_space<hbm>> -> memref<7x8x128xf32, #tpu.memory_space<hbm>>
    %dma_wait3A_378 = arith.constant 0 : i32
    %dma_wait3A_379 = arith.constant 0 : i32
    %dma_wait3A_380 = tpu.memref_slice %arg2[%dma_wait3A_378, %dma_wait3A_379, %multiple_of3A_346] : memref<7x8x20000xf32, #tpu.memory_space<hbm>> -> memref<7x8x128xf32, #tpu.memory_space<hbm>>
    tpu.wait_dma2 semaphore(%arg13 : memref<!tpu.dma_semaphore, #tpu.memory_space<semaphore_mem>>) src(%dma_wait3A_380 : memref<7x8x128xf32, #tpu.memory_space<hbm>>) dst(%arg6 : memref<7x8x128xf32, #tpu.memory_space<vmem>>)
    %add3A_381 = arith.constant 128 : i32
    %add3A_382 = arith.addi %add3A_381, %add3A : i32
    %min3A_383 = arith.constant 156 : i32
    %min3A_384 = arith.minsi %add3A_382, %min3A_383 : i32
    %mul3A_385 = arith.constant 128 : i32
    %mul3A_386 = arith.muli %min3A_384, %mul3A_385 : i32
    %multiple_of3A_387 = tpu.assume_multiple %mul3A_386, 128 : i32
    %add3A_388 = vector.broadcast %multiple_of3A_387 : i32 to vector<16xi32>
    %add3A_389 = arith.addi %iota3A, %add3A_388 : vector<16xi32>
    %scan3A_390 = arith.constant 0 : i32
    %scan3A_391 = arith.constant 0 : i32
    %scan3A_392 = arith.constant 8 : i32
    %scan3A_393 = arith.addi %scan3A_391, %scan3A_392 : i32
    %scan3A_394 = arith.constant 1 : i32
    %scan3A_395 = scf.for %scan3A_484 = %scan3A_391 to %scan3A_393 step %scan3A_394 iter_args(%scan3A_485 = %scan3A_390) -> (i32)  : i32 {
      %mul3A_486 = arith.constant 80 : i32
      %mul3A_487 = arith.muli %scan3A_484, %mul3A_486 : i32
      %get3A_488 = arith.index_cast %mul3A_487 : i32 to index
      %get3A_489 = tpu.vector_load %arg12[%get3A_488] {strides = array<i32>} : memref<640xf32, #tpu.memory_space<vmem>>, vector<16xf32>,
      %add3A_490 = arith.constant 16 : i32
      %add3A_491 = arith.addi %mul3A_487, %add3A_490 : i32
      %get3A_492 = arith.index_cast %add3A_491 : i32 to index
      %get3A_493 = tpu.vector_load %arg12[%get3A_492] {strides = array<i32>} : memref<640xf32, #tpu.memory_space<vmem>>, vector<16xf32>,
      %add3A_494 = arith.constant 32 : i32
      %add3A_495 = arith.addi %mul3A_487, %add3A_494 : i32
      %get3A_496 = arith.index_cast %add3A_495 : i32 to index
      %get3A_497 = tpu.vector_load %arg12[%get3A_496] {strides = array<i32>} : memref<640xf32, #tpu.memory_space<vmem>>, vector<16xf32>,
      %add3A_498 = arith.constant 48 : i32
      %add3A_499 = arith.addi %mul3A_487, %add3A_498 : i32
      %get3A_500 = arith.index_cast %add3A_499 : i32 to index
      %get3A_501 = tpu.vector_load %arg12[%get3A_500] {strides = array<i32>} : memref<640xf32, #tpu.memory_space<vmem>>, vector<16xf32>,
      %add3A_502 = arith.constant 64 : i32
      %add3A_503 = arith.addi %mul3A_487, %add3A_502 : i32
      %get3A_504 = arith.index_cast %add3A_503 : i32 to index
      %get3A_505 = tpu.vector_load %arg12[%get3A_504] {strides = array<i32>} : memref<640xf32, #tpu.memory_space<vmem>>, vector<16xf32>,
      %mul3A_506 = arith.constant 16 : i32
      %mul3A_507 = arith.muli %scan3A_484, %mul3A_506 : i32
      %get3A_508 = arith.index_cast %mul3A_507 : i32 to index
      %get3A_509 = tpu.vector_load %arg8[%get3A_508] {strides = array<i32>} : memref<128xf32, #tpu.memory_space<vmem>>, vector<16xf32>,
      %scan3A_510 = arith.constant 0 : i32
      %scan3A_511 = arith.constant 8 : i32
      %scan3A_512 = arith.addi %scan3A_510, %scan3A_511 : i32
      %scan3A_513 = arith.constant 1 : i32
      %scan3A_514 = scf.for %scan3A_521 = %scan3A_510 to %scan3A_512 step %scan3A_513 iter_args(%scan3A_522 = %get3A_509) -> (vector<16xf32>)  : i32 {
        %mul3A_523 = arith.constant 16 : i32
        %mul3A_524 = arith.muli %scan3A_521, %mul3A_523 : i32
        %get3A_525 = arith.constant 0 : i32
        %get3A_526 = arith.index_cast %get3A_525 : i32 to index
        %get3A_527 = arith.index_cast %scan3A_484 : i32 to index
        %get3A_528 = arith.index_cast %mul3A_524 : i32 to index
        %get3A_529 = tpu.vector_load %arg6[%get3A_526, %get3A_527, %get3A_528] {strides = array<i32>} : memref<7x8x128xf32, #tpu.memory_space<vmem>>, vector<16xf32>,
        %get3A_530 = arith.constant 1 : i32
        %get3A_531 = arith.index_cast %get3A_530 : i32 to index
        %get3A_532 = arith.index_cast %scan3A_484 : i32 to index
        %get3A_533 = arith.index_cast %mul3A_524 : i32 to index
        %get3A_534 = tpu.vector_load %arg6[%get3A_531, %get3A_532, %get3A_533] {strides = array<i32>} : memref<7x8x128xf32, #tpu.memory_space<vmem>>, vector<16xf32>,
        %get3A_535 = arith.constant 2 : i32
        %get3A_536 = arith.index_cast %get3A_535 : i32 to index
        %get3A_537 = arith.index_cast %scan3A_484 : i32 to index
        %get3A_538 = arith.index_cast %mul3A_524 : i32 to index
        %get3A_539 = tpu.vector_load %arg6[%get3A_536, %get3A_537, %get3A_538] {strides = array<i32>} : memref<7x8x128xf32, #tpu.memory_space<vmem>>, vector<16xf32>,
        %get3A_540 = arith.constant 3 : i32
        %get3A_541 = arith.index_cast %get3A_540 : i32 to index
        %get3A_542 = arith.index_cast %scan3A_484 : i32 to index
        %get3A_543 = arith.index_cast %mul3A_524 : i32 to index
        %get3A_544 = tpu.vector_load %arg6[%get3A_541, %get3A_542, %get3A_543] {strides = array<i32>} : memref<7x8x128xf32, #tpu.memory_space<vmem>>, vector<16xf32>,
        %get3A_545 = arith.constant 4 : i32
        %get3A_546 = arith.index_cast %get3A_545 : i32 to index
        %get3A_547 = arith.index_cast %scan3A_484 : i32 to index
        %get3A_548 = arith.index_cast %mul3A_524 : i32 to index
        %get3A_549 = tpu.vector_load %arg6[%get3A_546, %get3A_547, %get3A_548] {strides = array<i32>} : memref<7x8x128xf32, #tpu.memory_space<vmem>>, vector<16xf32>,
        %get3A_550 = arith.constant 6 : i32
        %get3A_551 = arith.index_cast %get3A_550 : i32 to index
        %get3A_552 = arith.index_cast %scan3A_484 : i32 to index
        %get3A_553 = arith.index_cast %mul3A_524 : i32 to index
        %get3A_554 = tpu.vector_load %arg6[%get3A_551, %get3A_552, %get3A_553] {strides = array<i32>} : memref<7x8x128xf32, #tpu.memory_space<vmem>>, vector<16xf32>,
        %div3A = arith.constant 2.000000e+00 : f32
        %div3A_555 = vector.broadcast %div3A : f32 to vector<16xf32>
        %div3A_556 = arith.divf %get3A_539, %div3A_555 : vector<16xf32>
        %sub3A_557 = arith.subf %get3A_529, %div3A_556 : vector<16xf32>
        %mul3A_558 = arith.constant 6.400000e+02 : f32
        %mul3A_559 = vector.broadcast %mul3A_558 : f32 to vector<16xf32>
        %mul3A_560 = arith.mulf %sub3A_557, %mul3A_559 : vector<16xf32>
        %div3A_561 = arith.constant 2.000000e+00 : f32
        %div3A_562 = vector.broadcast %div3A_561 : f32 to vector<16xf32>
        %div3A_563 = arith.divf %get3A_544, %div3A_562 : vector<16xf32>
        %sub3A_564 = arith.subf %get3A_534, %div3A_563 : vector<16xf32>
        %mul3A_565 = arith.constant 6.400000e+02 : f32
        %mul3A_566 = vector.broadcast %mul3A_565 : f32 to vector<16xf32>
        %mul3A_567 = arith.mulf %sub3A_564, %mul3A_566 : vector<16xf32>
        %div3A_568 = arith.constant 2.000000e+00 : f32
        %div3A_569 = vector.broadcast %div3A_568 : f32 to vector<16xf32>
        %div3A_570 = arith.divf %get3A_539, %div3A_569 : vector<16xf32>
        %add3A_571 = arith.addf %get3A_529, %div3A_570 : vector<16xf32>
        %mul3A_572 = arith.constant 6.400000e+02 : f32
        %mul3A_573 = vector.broadcast %mul3A_572 : f32 to vector<16xf32>
        %mul3A_574 = arith.mulf %add3A_571, %mul3A_573 : vector<16xf32>
        %div3A_575 = arith.constant 2.000000e+00 : f32
        %div3A_576 = vector.broadcast %div3A_575 : f32 to vector<16xf32>
        %div3A_577 = arith.divf %get3A_544, %div3A_576 : vector<16xf32>
        %add3A_578 = arith.addf %get3A_534, %div3A_577 : vector<16xf32>
        %mul3A_579 = arith.constant 6.400000e+02 : f32
        %mul3A_580 = vector.broadcast %mul3A_579 : f32 to vector<16xf32>
        %mul3A_581 = arith.mulf %add3A_578, %mul3A_580 : vector<16xf32>
        %max3A = arith.maximumf %mul3A_560, %get3A_489 : vector<16xf32>
        %max3A_582 = arith.maximumf %mul3A_567, %get3A_493 : vector<16xf32>
        %min3A_583 = arith.minimumf %mul3A_574, %get3A_497 : vector<16xf32>
        %min3A_584 = arith.minimumf %mul3A_581, %get3A_501 : vector<16xf32>
        %sub3A_585 = arith.subf %min3A_583, %max3A : vector<16xf32>
        %max3A_586 = arith.constant 0.000000e+00 : f32
        %max3A_587 = vector.broadcast %max3A_586 : f32 to vector<16xf32>
        %max3A_588 = arith.maximumf %sub3A_585, %max3A_587 : vector<16xf32>
        %sub3A_589 = arith.subf %min3A_584, %max3A_582 : vector<16xf32>
        %max3A_590 = arith.constant 0.000000e+00 : f32
        %max3A_591 = vector.broadcast %max3A_590 : f32 to vector<16xf32>
        %max3A_592 = arith.maximumf %sub3A_589, %max3A_591 : vector<16xf32>
        %mul3A_593 = arith.mulf %max3A_588, %max3A_592 : vector<16xf32>
        %sub3A_594 = arith.subf %mul3A_574, %mul3A_560 : vector<16xf32>
        %sub3A_595 = arith.subf %mul3A_581, %mul3A_567 : vector<16xf32>
        %mul3A_596 = arith.mulf %sub3A_594, %sub3A_595 : vector<16xf32>
        %add3A_597 = arith.addf %mul3A_596, %get3A_505 : vector<16xf32>
        %sub3A_598 = arith.subf %add3A_597, %mul3A_593 : vector<16xf32>
        %gt3A = arith.constant 2.000000e-01 : f32
        %gt3A_599 = vector.broadcast %gt3A : f32 to vector<16xf32>
        %gt3A_600 = arith.cmpf ogt, %get3A_549, %gt3A_599 : vector<16xf32>
        %mul3A_601 = arith.mulf %get3A_2, %sub3A_598 : vector<16xf32>
        %ge3A = arith.cmpf oge, %mul3A_593, %mul3A_601 : vector<16xf32>
        %and3A = arith.andi %gt3A_600, %ge3A : vector<16xi1>
        %convert_element_type3A = arith.fptosi %get3A_554 : vector<16xf32> to vector<16xi32>
        %eq3A_602 = arith.constant 0 : i32
        %eq3A_603 = vector.broadcast %eq3A_602 : i32 to vector<16xi32>
        %eq3A_604 = arith.cmpi eq, %convert_element_type3A, %eq3A_603 : vector<16xi32>
        %and3A_605 = arith.andi %and3A, %eq3A_604 : vector<16xi1>
        %add3A_606 = vector.broadcast %mul3A_524 : i32 to vector<16xi32>
        %add3A_607 = arith.addi %add3A_389, %add3A_606 : vector<16xi32>
        %lt3A = arith.constant 20000 : i32
        %lt3A_608 = vector.broadcast %lt3A : i32 to vector<16xi32>
        %lt3A_609 = arith.cmpi slt, %add3A_607, %lt3A_608 : vector<16xi32>
        %and3A_610 = arith.andi %and3A_605, %lt3A_609 : vector<16xi1>
        %jit3A = arith.constant -1.000000e+30 : f32
        %broadcast_in_dim3A_611 = vector.broadcast %jit3A : f32 to vector<16xf32>
        %select_n3A_612 = arith.select %and3A_610, %get3A_549, %broadcast_in_dim3A_611 : vector<16xi1>, vector<16xf32>
        %max3A_613 = arith.maximumf %scan3A_522, %select_n3A_612 : vector<16xf32>
        scf.yield %max3A_613 : vector<16xf32>
      }
      %scan3A_515 = arith.constant 8 : i32
      %mul3A_516 = arith.constant 16 : i32
      %mul3A_517 = arith.muli %scan3A_484, %mul3A_516 : i32
      %swap3A_518 = arith.index_cast %mul3A_517 : i32 to index
      %swap3A_519 = tpu.vector_load %arg8[%swap3A_518] {strides = array<i32>} : memref<128xf32, #tpu.memory_space<vmem>>, vector<16xf32>,
      tpu.vector_store %arg8[%swap3A_518], %scan3A_514 {strides = array<i32>} : memref<128xf32, #tpu.memory_space<vmem>>, vector<16xf32>,
      %scan3A_520 = arith.constant 0 : i32
      scf.yield %scan3A_520 : i32
    }
    %scan3A_396 = arith.constant 8 : i32
    %eq3A = arith.constant 0 : i32
    %eq3A_397 = vector.broadcast %eq3A : i32 to vector<16xi32>
    %eq3A_398 = arith.cmpi eq, %iota3A, %eq3A_397 : vector<16xi32>
    %get3A_399 = arith.constant 0 : index
    %get3A_400 = tpu.vector_load %arg8[%get3A_399] {strides = array<i32>} : memref<128xf32, #tpu.memory_space<vmem>>, vector<16xf32>,
    %reduce_max3A = arith.constant true
    %reduce_max3A_401 = vector.broadcast %reduce_max3A : i1 to vector<16xi1>
    %reduce_max3A_402 = tpu.scan <max>, %get3A_400 masked %reduce_max3A_401 : vector<16xf32>, vector<16xi1> -> vector<16xf32>
    %reduce_max3A_403 = vector.extract %reduce_max3A_402[15] : f32 from vector<16xf32>
    %broadcast_in_dim3A_404 = vector.broadcast %reduce_max3A_403 : f32 to vector<16xf32>
    %select_n3A = arith.select %eq3A_398, %broadcast_in_dim3A_404, %broadcast_in_dim3A_1 : vector<16xi1>, vector<16xf32>
    %eq3A_405 = arith.constant 1 : i32
    %eq3A_406 = vector.broadcast %eq3A_405 : i32 to vector<16xi32>
    %eq3A_407 = arith.cmpi eq, %iota3A, %eq3A_406 : vector<16xi32>
    %get3A_408 = arith.constant 16 : index
    %get3A_409 = tpu.vector_load %arg8[%get3A_408] {strides = array<i32>} : memref<128xf32, #tpu.memory_space<vmem>>, vector<16xf32>,
    %reduce_max3A_410 = arith.constant true
    %reduce_max3A_411 = vector.broadcast %reduce_max3A_410 : i1 to vector<16xi1>
    %reduce_max3A_412 = tpu.scan <max>, %get3A_409 masked %reduce_max3A_411 : vector<16xf32>, vector<16xi1> -> vector<16xf32>
    %reduce_max3A_413 = vector.extract %reduce_max3A_412[15] : f32 from vector<16xf32>
    %broadcast_in_dim3A_414 = vector.broadcast %reduce_max3A_413 : f32 to vector<16xf32>
    %select_n3A_415 = arith.select %eq3A_407, %broadcast_in_dim3A_414, %select_n3A : vector<16xi1>, vector<16xf32>
    %eq3A_416 = arith.constant 2 : i32
    %eq3A_417 = vector.broadcast %eq3A_416 : i32 to vector<16xi32>
    %eq3A_418 = arith.cmpi eq, %iota3A, %eq3A_417 : vector<16xi32>
    %get3A_419 = arith.constant 32 : index
    %get3A_420 = tpu.vector_load %arg8[%get3A_419] {strides = array<i32>} : memref<128xf32, #tpu.memory_space<vmem>>, vector<16xf32>,
    %reduce_max3A_421 = arith.constant true
    %reduce_max3A_422 = vector.broadcast %reduce_max3A_421 : i1 to vector<16xi1>
    %reduce_max3A_423 = tpu.scan <max>, %get3A_420 masked %reduce_max3A_422 : vector<16xf32>, vector<16xi1> -> vector<16xf32>
    %reduce_max3A_424 = vector.extract %reduce_max3A_423[15] : f32 from vector<16xf32>
    %broadcast_in_dim3A_425 = vector.broadcast %reduce_max3A_424 : f32 to vector<16xf32>
    %select_n3A_426 = arith.select %eq3A_418, %broadcast_in_dim3A_425, %select_n3A_415 : vector<16xi1>, vector<16xf32>
    %eq3A_427 = arith.constant 3 : i32
    %eq3A_428 = vector.broadcast %eq3A_427 : i32 to vector<16xi32>
    %eq3A_429 = arith.cmpi eq, %iota3A, %eq3A_428 : vector<16xi32>
    %get3A_430 = arith.constant 48 : index
    %get3A_431 = tpu.vector_load %arg8[%get3A_430] {strides = array<i32>} : memref<128xf32, #tpu.memory_space<vmem>>, vector<16xf32>,
    %reduce_max3A_432 = arith.constant true
    %reduce_max3A_433 = vector.broadcast %reduce_max3A_432 : i1 to vector<16xi1>
    %reduce_max3A_434 = tpu.scan <max>, %get3A_431 masked %reduce_max3A_433 : vector<16xf32>, vector<16xi1> -> vector<16xf32>
    %reduce_max3A_435 = vector.extract %reduce_max3A_434[15] : f32 from vector<16xf32>
    %broadcast_in_dim3A_436 = vector.broadcast %reduce_max3A_435 : f32 to vector<16xf32>
    %select_n3A_437 = arith.select %eq3A_429, %broadcast_in_dim3A_436, %select_n3A_426 : vector<16xi1>, vector<16xf32>
    %eq3A_438 = arith.constant 4 : i32
    %eq3A_439 = vector.broadcast %eq3A_438 : i32 to vector<16xi32>
    %eq3A_440 = arith.cmpi eq, %iota3A, %eq3A_439 : vector<16xi32>
    %get3A_441 = arith.constant 64 : index
    %get3A_442 = tpu.vector_load %arg8[%get3A_441] {strides = array<i32>} : memref<128xf32, #tpu.memory_space<vmem>>, vector<16xf32>,
    %reduce_max3A_443 = arith.constant true
    %reduce_max3A_444 = vector.broadcast %reduce_max3A_443 : i1 to vector<16xi1>
    %reduce_max3A_445 = tpu.scan <max>, %get3A_442 masked %reduce_max3A_444 : vector<16xf32>, vector<16xi1> -> vector<16xf32>
    %reduce_max3A_446 = vector.extract %reduce_max3A_445[15] : f32 from vector<16xf32>
    %broadcast_in_dim3A_447 = vector.broadcast %reduce_max3A_446 : f32 to vector<16xf32>
    %select_n3A_448 = arith.select %eq3A_440, %broadcast_in_dim3A_447, %select_n3A_437 : vector<16xi1>, vector<16xf32>
    %eq3A_449 = arith.constant 5 : i32
    %eq3A_450 = vector.broadcast %eq3A_449 : i32 to vector<16xi32>
    %eq3A_451 = arith.cmpi eq, %iota3A, %eq3A_450 : vector<16xi32>
    %get3A_452 = arith.constant 80 : index
    %get3A_453 = tpu.vector_load %arg8[%get3A_452] {strides = array<i32>} : memref<128xf32, #tpu.memory_space<vmem>>, vector<16xf32>,
    %reduce_max3A_454 = arith.constant true
    %reduce_max3A_455 = vector.broadcast %reduce_max3A_454 : i1 to vector<16xi1>
    %reduce_max3A_456 = tpu.scan <max>, %get3A_453 masked %reduce_max3A_455 : vector<16xf32>, vector<16xi1> -> vector<16xf32>
    %reduce_max3A_457 = vector.extract %reduce_max3A_456[15] : f32 from vector<16xf32>
    %broadcast_in_dim3A_458 = vector.broadcast %reduce_max3A_457 : f32 to vector<16xf32>
    %select_n3A_459 = arith.select %eq3A_451, %broadcast_in_dim3A_458, %select_n3A_448 : vector<16xi1>, vector<16xf32>
    %eq3A_460 = arith.constant 6 : i32
    %eq3A_461 = vector.broadcast %eq3A_460 : i32 to vector<16xi32>
    %eq3A_462 = arith.cmpi eq, %iota3A, %eq3A_461 : vector<16xi32>
    %get3A_463 = arith.constant 96 : index
    %get3A_464 = tpu.vector_load %arg8[%get3A_463] {strides = array<i32>} : memref<128xf32, #tpu.memory_space<vmem>>, vector<16xf32>,
    %reduce_max3A_465 = arith.constant true
    %reduce_max3A_466 = vector.broadcast %reduce_max3A_465 : i1 to vector<16xi1>
    %reduce_max3A_467 = tpu.scan <max>, %get3A_464 masked %reduce_max3A_466 : vector<16xf32>, vector<16xi1> -> vector<16xf32>
    %reduce_max3A_468 = vector.extract %reduce_max3A_467[15] : f32 from vector<16xf32>
    %broadcast_in_dim3A_469 = vector.broadcast %reduce_max3A_468 : f32 to vector<16xf32>
    %select_n3A_470 = arith.select %eq3A_462, %broadcast_in_dim3A_469, %select_n3A_459 : vector<16xi1>, vector<16xf32>
    %eq3A_471 = arith.constant 7 : i32
    %eq3A_472 = vector.broadcast %eq3A_471 : i32 to vector<16xi32>
    %eq3A_473 = arith.cmpi eq, %iota3A, %eq3A_472 : vector<16xi32>
    %get3A_474 = arith.constant 112 : index
    %get3A_475 = tpu.vector_load %arg8[%get3A_474] {strides = array<i32>} : memref<128xf32, #tpu.memory_space<vmem>>, vector<16xf32>,
    %reduce_max3A_476 = arith.constant true
    %reduce_max3A_477 = vector.broadcast %reduce_max3A_476 : i1 to vector<16xi1>
    %reduce_max3A_478 = tpu.scan <max>, %get3A_475 masked %reduce_max3A_477 : vector<16xf32>, vector<16xi1> -> vector<16xf32>
    %reduce_max3A_479 = vector.extract %reduce_max3A_478[15] : f32 from vector<16xf32>
    %broadcast_in_dim3A_480 = vector.broadcast %reduce_max3A_479 : f32 to vector<16xf32>
    %select_n3A_481 = arith.select %eq3A_473, %broadcast_in_dim3A_480, %select_n3A_470 : vector<16xi1>, vector<16xf32>
    %swap3A_482 = arith.constant 0 : index
    %swap3A_483 = tpu.vector_load %arg9[%swap3A_482] {strides = array<i32>} : memref<16xf32, #tpu.memory_space<vmem>>, vector<16xf32>,
    tpu.vector_store %arg9[%swap3A_482], %select_n3A_481 {strides = array<i32>} : memref<16xf32, #tpu.memory_space<vmem>>, vector<16xf32>,
    "tpu.region"() ({
      %run_scoped3A = tpu.sem_alloc : memref<!tpu.dma_semaphore, #tpu.memory_space<semaphore_mem>>
      %dma_start3A_484 = arith.constant 0 : i32
      %dma_start3A_485 = tpu.memref_slice %arg5[%add3A, %dma_start3A_484] : memref<32x16xf32, #tpu.memory_space<hbm>> -> memref<1x16xf32, #tpu.memory_space<hbm>>
      %dma_start3A_486 = tpu.memref_squeeze %dma_start3A_485 : memref<1x16xf32, #tpu.memory_space<hbm>> -> memref<16xf32, #tpu.memory_space<hbm>>
      %dma_start3A_487 = arith.constant 0 : i32
      %dma_start3A_488 = tpu.memref_slice %arg5[%add3A, %dma_start3A_487] : memref<32x16xf32, #tpu.memory_space<hbm>> -> memref<1x16xf32, #tpu.memory_space<hbm>>
      %dma_start3A_489 = tpu.memref_squeeze %dma_start3A_488 : memref<1x16xf32, #tpu.memory_space<hbm>> -> memref<16xf32, #tpu.memory_space<hbm>>
      tpu.enqueue_dma source(%arg9 : memref<16xf32, #tpu.memory_space<vmem>>) target(%dma_start3A_489 : memref<16xf32, #tpu.memory_space<hbm>>) target_semaphore(%run_scoped3A : memref<!tpu.dma_semaphore, #tpu.memory_space<semaphore_mem>>)
      %dma_wait3A_490 = arith.constant 0 : i32
      %dma_wait3A_491 = tpu.memref_slice %arg5[%add3A, %dma_wait3A_490] : memref<32x16xf32, #tpu.memory_space<hbm>> -> memref<1x16xf32, #tpu.memory_space<hbm>>
      %dma_wait3A_492 = tpu.memref_squeeze %dma_wait3A_491 : memref<1x16xf32, #tpu.memory_space<hbm>> -> memref<16xf32, #tpu.memory_space<hbm>>
      %dma_wait3A_493 = arith.constant 0 : i32
      %dma_wait3A_494 = tpu.memref_slice %arg5[%add3A, %dma_wait3A_493] : memref<32x16xf32, #tpu.memory_space<hbm>> -> memref<1x16xf32, #tpu.memory_space<hbm>>
      %dma_wait3A_495 = tpu.memref_squeeze %dma_wait3A_494 : memref<1x16xf32, #tpu.memory_space<hbm>> -> memref<16xf32, #tpu.memory_space<hbm>>
      tpu.wait_dma2 semaphore(%run_scoped3A : memref<!tpu.dma_semaphore, #tpu.memory_space<semaphore_mem>>) src(%arg9 : memref<16xf32, #tpu.memory_space<vmem>>) dst(%dma_wait3A_495 : memref<16xf32, #tpu.memory_space<hbm>>)
      tpu.yield
    }) : () -> ()
    return
  }
}

</mosaic_0001>

<sc_bundles>
// kernel: kernel.3.cloned.1.call-start
scs
__scs_entry_jumppad:
0x0: {  	(pc) =	sbr.rel $0x88, $3  }
0x1: {  	(tag) =	ssettag $0x0;
	lr =	simm.s32 $0x1  }
0x2: {  	[smem:$0x3F9E] =	sst lr;
	_ =	strace $0xD0000000  }
0x3: {  	_ = 	snop  }
0x4: {  	_ = 	snop  }
0x5: {  	_ = 	snop  }
0x6: {  	_ = 	snop  }
0x7: {  	_ = 	snop  }
__scs_overlays_trampoline_lowered:
0x8: {  	[smem:$0x3FAD] =	sst s0  }
0x9: {  	[smem:$0x3FAE] =	sst s1  }
0xa: {  	[smem:$0x3FAF] =	sst s2  }
0xb: {  	[smem:$0x3FB0] =	sst s3  }
0xc: {  	[smem:$0x3FB1] =	sst s4  }
0xd: {  	[smem:$0x3FB2] =	sst s5  }
0xe: {  	[smem:$0x3FB3] =	sst s6  }
0xf: {  	[smem:$0x3FB4] =	sst s7  }
0x10: {  	[smem:$0x3FB5] =	sst s8  }
0x11: {  	[smem:$0x3FB6] =	sst s9;
	s0 =	simm.s32 @!p0 $0x0  }
0x12: {  	s1 =	sld [smem:$0x3F9C];
	s0 =	simm.s32 @p0 $0x1  }
0x13: {  	[smem:$0x3FB7] =	sst s0;
	s0 =	simm.s32 @!p1 $0x0  }
0x14: {  	s2 =	sld [smem:$0x3F9B];
	s0 =	simm.s32 @p1 $0x1  }
0x15: {  	[smem:$0x3FB8] =	sst s0;
	s0 =	simm.s32 @!p2 $0x0  }
0x16: {  	s3 =	sld [smem:$0x3FDB];
	s0 =	simm.s32 @p2 $0x1  }
0x17: {  	s4 =	simm.s32 $0x1BF5;
	[smem:$0x3FBA] =	sst s0  }
0x18: {  	s0 =	sld [smem:$0x3F9D];
	_ =	swait.ge [sflag:s4], $0x0  }
0x19: {  	s7 =	sld [smem:$0x3F9E]  }
0x1a: {  	s8 =	sadd.s32 $0xFFFFE003, lr  }
0x1b: {  	s9 =	sadd.s32 $0xFFFFFEF7, lr;
	s5 =	simm.s32 $0xFFFFFFFF;
	p2 =	slt.u32 s8, $0xFFFFF086  }
0x1c: {  	p1 =	slt.u32 s9, $0xF7A;
	s5 =	simm.s32 @!p2 $0x0  }
0x1d: {  	s5 =	simm.s32 @p1 $0x1;
	p0 =	seq.s32 s7, s2  }
0x1e: {  	s7 =	smul.u32 @!p0 $0xF7A, s2;
	p2 =	seq.s32 @!p0 s5, $0x0  }
0x1f: {  	s9 =	smul.u32 $0xF7A, s1;
	s8 =	simm.s32 @!p0 $0x1BF5;
	p2 =	por !p2, p0  }
0x20: {  	[sflag:s8] =	ssyncset.s32 @!p0 $0xFFFFF086;
	s6 =	sadd.s32 @!p0 s3, s7;
	s7 =	simm.s32 @!p0 $0x108  }
0x21: {  	s3 =	sadd.s32 s3, s9;
	s6 =	sadd.s32 @!p0 $0x88, s6;
	s7 =	simm.s32 @p2 $0x1082  }
0x22: {  	[simem:s7], [sflag:s8] =	dma.local @!p0 [hbm:s6], $0xF7A  }
0x23: {  	s9 =	sor.u32 $0xD0000000, s2;
	s6 =	simm.s32 $0x108;
	_ =	swait.ge @!p0 [sflag:s8], $0x0  }
0x24: {  	s3 =	sadd.s32 $0x88, s3;
	s6 =	simm.s32 @!p1 $0x1082;
	[sflag:s4] =	ssyncset.s32 $0xFFFFF086  }
0x25: {  	[simem:s6], [sflag:s4] =	dma.local [hbm:s3], $0xF7A  }
0x26: {  	[smem:$0x3F9E] =	sst s1;
	(tag) =	ssettag s2;
	_ =	strace s9  }
0x27: {  	s1 =	sld [smem:$0x3FAE]  }
0x28: {  	s2 =	sld [smem:$0x3FAF]  }
0x29: {  	s4 =	sld [smem:$0x3FB1]  }
0x2a: {  	p0 =	seq.s32 s5, $0x0;
	s5 =	sld [smem:$0x3FB2]  }
0x2b: {  	s6 =	sld [smem:$0x3FB3]  }
0x2c: {  	s7 =	sld [smem:$0x3FB4]  }
0x2d: {  	s3 =	simm.s32 $0x108;
	s8 =	sld [smem:$0x3FB5]  }
0x2e: {  	s3 =	simm.s32 @!p0 $0x1082;
	s9 =	sld [smem:$0x3FB6]  }
0x2f: {  	lr =	sadd.s32 s0, s3;
	s0 =	sld [smem:$0x3FAD]  }
0x30: {  	s3 =	sld [smem:$0x3FB0]  }
0x31: {  	[smem:$0x3FB9] =	sst s10  }
0x32: {  	s10 =	sld [smem:$0x3FB7];
	_ =	sdelay $0x3  }
0x33: {  	p0 =	seq.s32 s10, $0x1;
	s10 =	sld [smem:$0x3FB9];
	_ =	sdelay $0x3  }
0x34: {  	[smem:$0x3FB9] =	sst s10  }
0x35: {  	s10 =	sld [smem:$0x3FB8];
	_ =	sdelay $0x3  }
0x36: {  	p1 =	seq.s32 s10, $0x1;
	s10 =	sld [smem:$0x3FB9];
	_ =	sdelay $0x3  }
0x37: {  	[smem:$0x3FB9] =	sst s10  }
0x38: {  	s10 =	sld [smem:$0x3FBA]  }
0x39: {  	_ = 	snop;
	(pc) =	sbr.ind lr, $3  }
0x3a: {  	_ = 	snop  }
0x3b: {  	_ = 	snop  }
0x3c: {  	p2 =	seq.s32 s10, $0x1;
	s10 =	sld [smem:$0x3FB9]  }
0x3d: {  	_ =	shalt  }
0x3e: {  	_ =	shalt  }
0x3f: {  	_ =	shalt  }
0x40: {  	_ =	shalt  }
0x41: {  	_ =	shalt  }
0x42: {  	_ =	shalt  }
0x43: {  	_ =	shalt  }
0x44: {  	_ =	shalt  }
0x45: {  	_ =	shalt  }
0x46: {  	_ =	shalt  }
0x47: {  	_ =	shalt  }
0x48: {  	_ =	shalt  }
0x49: {  	_ =	shalt  }
0x4a: {  	_ =	shalt  }
0x4b: {  	_ =	shalt  }
0x4c: {  	_ =	shalt  }
0x4d: {  	_ =	shalt  }
0x4e: {  	_ =	shalt  }
0x4f: {  	_ =	shalt  }
0x50: {  	_ =	shalt  }
0x51: {  	_ =	shalt  }
0x52: {  	_ =	shalt  }
0x53: {  	_ =	shalt  }
0x54: {  	_ =	shalt  }
0x55: {  	_ =	shalt  }
0x56: {  	_ =	shalt  }
0x57: {  	_ =	shalt  }
0x58: {  	_ =	shalt  }
0x59: {  	_ =	shalt  }
0x5a: {  	_ =	shalt  }
0x5b: {  	_ =	shalt  }
0x5c: {  	_ =	shalt  }
0x5d: {  	_ =	shalt  }
0x5e: {  	_ =	shalt  }
0x5f: {  	_ =	shalt  }
0x60: {  	_ =	shalt  }
0x61: {  	_ =	shalt  }
0x62: {  	_ =	shalt  }
0x63: {  	_ =	shalt  }
0x64: {  	_ =	shalt  }
0x65: {  	_ =	shalt  }
0x66: {  	_ =	shalt  }
0x67: {  	_ =	shalt  }
0x68: {  	_ =	shalt  }
0x69: {  	_ =	shalt  }
0x6a: {  	_ =	shalt  }
0x6b: {  	_ =	shalt  }
0x6c: {  	_ =	shalt  }
0x6d: {  	_ =	shalt  }
0x6e: {  	_ =	shalt  }
0x6f: {  	_ =	shalt  }
0x70: {  	_ =	shalt  }
0x71: {  	_ =	shalt  }
0x72: {  	_ =	shalt  }
0x73: {  	_ =	shalt  }
0x74: {  	_ =	shalt  }
0x75: {  	_ =	shalt  }
0x76: {  	_ =	shalt  }
0x77: {  	_ =	shalt  }
0x78: {  	_ =	shalt  }
0x79: {  	_ =	shalt  }
0x7a: {  	_ =	shalt  }
0x7b: {  	_ =	shalt  }
0x7c: {  	_ =	shalt  }
0x7d: {  	_ =	shalt  }
0x7e: {  	_ =	shalt  }
0x7f: {  	_ =	shalt  }
0x80: {  	_ =	shalt  }
0x81: {  	_ =	shalt  }
0x82: {  	_ =	shalt  }
0x83: {  	_ =	shalt  }
0x84: {  	_ =	shalt  }
0x85: {  	_ =	shalt  }
0x86: {  	_ =	shalt  }
0x87: {  	_ =	shalt  }
.Lfunc_end0:
.L_simem_size_0:
called_computation_lowered:
.L_overlay_start_0:
0x88: {  	s2 =	sld [smem:$0x3FD9]  }
0x89: {  	s3 =	sld [smem:$0x3FFE];
	_ =	sdelay $0x1  }
0x8a: {  	s1 =	srdreg.scid  }
0x8b: {  	s0 =	sand.u32 $0x1, s1  }
0x8c: {  	s14 =	sshll.u32 s0, $0xA;
	s2 =	sadd.s32 s3, s2  }
0x8d: {  	s2 =	sadd.s32 s2, s14  }
0x8e: {  	[smem:$0x3FC5] =	sst s2  }
0x8f: {  	_ = 	snop  }
0x90: {  	s2 =	sld [smem:$0x3FD0];
	_ =	sdelay $0x2  }
0x91: {  	s4 =	simm.s32 $0xA;
	s5 =	simm.s32 $0x10;
	s15 =	sld [smem:$0x3FC9]  }
0x92: {  	[smem:s5], [sflag:s4] =	dma.local [hbm:s2], $0x1  }
0x93: {  	_ =	swait.eq [sflag:s4], $0x1  }
0x94: {  	[sflag:s4] =	ssyncset.done $0x0  }
0x95: {  	s16 =	sld [smem:$0x10];
	[sflag:s4] =	ssyncadd.s32 $0xFFFFFFFF  }
0x96: {  	s17 =	sld [smem:$0x11];
	(tm) =	ssettm $0x1  }
0x97: {  	s18 =	sld [smem:$0x3FFB];
	_ =	sdelay $0x3  }
0x98: {  	_ =	strace s18  }
0x99: {  	s5 =	sld [smem:$0x3FFC];
	_ =	sdelay $0x3  }
0x9a: {  	_ =	strace s5  }
0x9b: {  	s5 =	sld [smem:$0x3FFD];
	_ =	sdelay $0x3  }
0x9c: {  	_ =	strace s5  }
0x9d: {  	_ =	strace $0x8FFFFFFF  }
0x9e: {  	s19 =	sld [smem:$0x3FDB];
	_ =	sdelay $0x1  }
0x9f: {  	s6 =	simm.s32 $_scs_section_size  }
0xa0: {  	s7 =	simm.s32 $_size__tile_overlayer_lowered;
	s8 =	simm.s32 $_tile_overlayer_lowered  }
0xa1: {  	s22 =	simm.s32 $0x1BFF;
	s21 =	sshll.u32 s8, $0x1;
	s5 =	sadd.s32 s6, s19  }
0xa2: {  	s9 =	simm.s32 $0x0;
	s20 =	sshll.u32 s7, $0x1;
	s7 =	sadd.s32 s21, s5  }
0xa3: {  	[timem:s9], [sflag:s22] =	dma.local [hbm:s7], s20  }
0xa4: {  	_ =	swait.ge [sflag:s22], s20  }
0xa5: {  	s6 =	ssub.s32 $0x0, s20;
	[sflag:s22] =	ssyncset.done $0x0  }
0xa6: {  	[sflag:s22] =	ssyncadd.s32 s6;
	_ =	sdelay $0x1  }
0xa7: {  	s23 =	simm.s32 $0x1B8B  }
0xa8: {  	_ =	swait.ge [sflag:s23], $0x1  }
0xa9: {  	[sflag:s23] =	ssyncset.done $0x0  }
0xaa: {  	s25 =	simm.s32 $0x1B8E;
	s24 =	sld [smem:$0x3FFE];
	[sflag:s23] =	ssyncadd.s32 $0xFFFFFFFF  }
0xab: {  	s26 =	simm.s32 $execute0_lowered;
	[smem:$0x3FD2] =	sst s25  }
0xac: {  	s7 =	sshll.u32 s26, $0x1;
	_ =	strace $0x80000046;
	[dreg:$0x1] =	wrdreg $0xFFFFFFFF  }
0xad: {  	s28 =	simm.s32 $_size_execute0_lowered;
	s5 =	sadd.s32 s5, s7;
	[dreg:$0x0] =	wrdreg $0x0  }
0xae: {  	s7 =	sshll.u32 s28, $0x1;
	[dreg:$0x2] =	wrdreg s5  }
0xaf: {  	[dreg:$0x3] =	wrdreg s7  }
0xb0: {  	[dreg:$0x4] =	wrdreg $0xC0  }
0xb1: {  	_ =	task [dreg:s9], $0x5FFFF  }
0xb2: {  	[dreg:$0x1] =	wrdreg $0xFFFFFFFF  }
0xb3: {  	[dreg:$0x0] =	wrdreg $0x60  }
0xb4: {  	[dreg:$0x2] =	wrdreg s15  }
0xb5: {  	[dreg:$0x3] =	wrdreg s16  }
0xb6: {  	[dreg:$0x4] =	wrdreg s17  }
0xb7: {  	[dreg:$0x5] =	wrdreg s24  }
0xb8: {  	[dreg:$0x6] =	wrdreg $0x9  }
0xb9: {  	_ =	task.clear_ibuf [dreg:s9], $0x7FFFF;
	_ =	strace $0x90000046  }
0xba: {  	s29 =	simm.s32 $0x9;
	_ =	strace $0x80000048  }
0xbb: {  	_ =	swait.ge [sflag:s29], $0x1  }
0xbc: {  	[sflag:s29] =	ssyncadd.s32 $0xFFFFFFFF  }
0xbd: {  	_ =	strace $0x90000048  }
0xbe: {  	_ =	sfence  }
0xbf: {  	s30 =	sld [smem:$0x0];
	_ =	sdelay $0x2  }
0xc0: {  	s31 =	sshll.u32 s1, $0xD;
	s1 =	sshrl.u32 s1, $0x2  }
0xc1: {  	s3 =	sand.u32 $0x4000, s31;
	s1 =	sadd.s32 s1, s30  }
0xc2: {  	s0 =	sor.u32 s3, s0;
	s1 =	sshll.u32 s1, $0x11  }
0xc3: {  	s0 =	sor.u32 s1, s0  }
0xc4: {  	s0 =	sadd.s32 $0x8F2B, s0  }
0xc5: {  	[sflag:s0] =	ssyncadd.remote.s32 $0x1  }
0xc6: {  	_ =	sfence.sel $0xFFFF  }
0xc7: {  	[dreg:$0x0] =	wrdreg $0xFFFFFFFF;
	(pc) =	sbr.abs _section_cstart, $3  }
0xc8: {  	[dreg:$0x1] =	wrdreg $0xFFFFFFFF  }
0xc9: {  	_ =	task.clear_ibuf [dreg:s9], $0x2FFFF;
	_ =	strace $0x9FFFFFFF  }
0xca: {  	(tm) =	ssettm $0x7FFFFFFF  }
0xcb: {  	_ =	shalt  }
tec
execute0_lowered:
.L_overlay_start_1:
0x0: {  	(tag) =	ssettag $0x1  }
0x1: {  	s0 =	rddreg [dreg:$0x0]  }
0x2: {  	s1 =	rddreg [dreg:$0x3];
	s2 =	srdreg.scid;
	s4 =	simm.s32 $0x0  }
0x3: {  	s14 =	stileid.u32;
	s18 =	simm.s32 $0x3;
	[smem:$0x7FF] =	sst s4  }
0x4: {  	v0 =	vimm.f32 $2.000000000e+00;
	s20 =	simm.s32 $0x400;
	s21 =	simm.s32 $0x27400;
	_ =	strace $0x80000047  }
0x5: {  	s22 =	simm.s32 $0x1C00;
	s23 =	simm.s32 $0x1;
	s2 =	sand.u32 $0x1, s2;
	(erf) = vrcp.f32 v0  }
0x6: {  	s24 =	simm.s32 $0x2;
	s25 =	simm.s32 $0x3880;
	s3 =	sshll.u32 s2, $0x4  }
0x7: {  	s26 =	simm.s32 $0x0;
	s2 =	ssub.s32 $0x2, s2;
	s3 =	sor.u32 s14, s3  }
0x8: {  	s6 =	sshrl.u32 s2, $0x1;
	s14 =	sshll.u32 s14, $0x4;
	s5 =	sshll.u32 s3, $0x7  }
0x9: {  	s2 =	ssub.s32 s2, s6;
	s13 =	smin.u32 s3, $0x1C;
	s3 =	sshll.u32 s3, $0x4  }
0xa: {  	s15 =	sand.u32 $0x70, s14;
	s6 =	sor.u32 $0x1000, s5;
	s7 =	sadd.s32 s0, s5  }
0xb: {  	vm0 =	vmxor vm0, vm0;
	s9 =	sor.u32 $0x2000, s5;
	s11 =	sor.u32 $0x3000, s5;
	s13 =	sshll.u32 s13, $0x7  }
0xc: {  	vm1 =	vmmov $0x1;
	vm2 =	vcmask $0x320;
	vm3 =	vcmask $0x720;
	s31 =	sand.u32 $0x180, s3;
	s1 =	sadd.s32 s1, s15;
	s16 =	smax.u32 s2, $0x1  }
0xd: {  	vm4 =	vcmask $0xB20;
	vm5 =	vcmask $0xF20;
	vm6 =	vcmask $0x1320;
	s8 =	sadd.s32 s0, s6;
	s10 =	sadd.s32 s0, s9;
	s13 =	sor.u32 $0x4000, s13  }
0xe: {  	vm7 =	vcmask $0x1720;
	vm8 =	vcmask $0x1B20;
	v0 =	vimm.f32 $-1.000000020e+30;
	s12 =	sadd.s32 s0, s11;
	s15 =	sadd.s32 s31, s1;
	s14 =	sadd.s32 s0, s13;
	v1 =	vpop (erf)  }
.LBB2_1:
0xf: {  	s0 =	rddreg [dreg:$0x1];
	s1 =	simm.s32 $0x3900  }
0x10: {  	[tilespmem:s1], [sflag:$0x3] =	stream.linear.gather [hbm4b:s0+s4], $0x80, $0x38;
	[tilespmem:$0x3C80] =	vst v63  }
0x11: {  	_ =	swait.ge [sflag:s18], $0x80  }
0x12: {  	[sflag:s18] =	ssyncset.done $0x0  }
0x13: {  	[sflag:s18] =	ssyncadd.s32 $0xFFFFFF80  }
0x14: {  	s19 =	simm.s32 $0x3980;
	s17 =	rddreg [dreg:$0x2]  }
0x15: {  	[tilespmem:s19], [sflag:$0x3] =	stream.linear.gather [hbm4b:s17+s4], $0x80, $0x38;
	[tilespmem:$0x3C80] =	vst v63  }
0x16: {  	_ =	swait.ge [sflag:s18], $0x80  }
0x17: {  	[sflag:s18] =	ssyncset.done $0x0  }
0x18: {  	[sflag:s18] =	ssyncadd.s32 $0xFFFFFF80  }
0x19: {  	v3 =	vld [tilespmem:$0x3900];
	_ =	sdelay $0x1  }
0x1a: {  	v2 =	vld [tilespmem:$0x3910];
	_ =	sdelay $0x2  }
0x1b: {  	(v2sf) =	vpush v3, $0x0  }
0x1c: {  	(v2sf) =	vpush v3, $0x8  }
0x1d: {  	(v2sf) =	vpush v2, $0x0  }
0x1e: {  	(v2sf) =	vpush v2, $0x8  }
0x1f: {  	(v2sf) =	vpush v3, $0x1  }
0x20: {  	(v2sf) =	vpush v3, $0x9  }
0x21: {  	(v2sf) =	vpush v2, $0x1  }
0x22: {  	(v2sf) =	vpush v2, $0x9;
	_ =	sdelay $0x3  }
0x23: {  	[tilespmem:$0x3800] =	vst v0;
	(v2sf) =	vpush v3, $0x2  }
0x24: {  	[tilespmem:$0x3810] =	vst v0;
	(v2sf) =	vpush v3, $0xA  }
0x25: {  	[tilespmem:$0x3820] =	vst v0;
	(v2sf) =	vpush v2, $0x2  }
0x26: {  	[tilespmem:$0x3830] =	vst v0;
	(v2sf) =	vpush v2, $0xA  }
0x27: {  	[tilespmem:$0x3840] =	vst v0;
	s30 =	spop (v2sf);
	(v2sf) =	vpush v3, $0x3  }
0x28: {  	[tilespmem:$0x3850] =	vst v0;
	s31 =	spop (v2sf);
	(v2sf) =	vpush v3, $0xB  }
0x29: {  	[tilespmem:$0x3860] =	vst v0;
	v4 =	vbroadcast v3, $0x0;
	s2 =	spop (v2sf);
	(v2sf) =	vpush v2, $0x3  }
0x2a: {  	[tilespmem:$0x3870] =	vst v0;
	v5 =	vbroadcast v3, $0x8;
	s3 =	spop (v2sf);
	(v2sf) =	vpush v2, $0xB  }
0x2b: {  	v29 =	vbroadcast v2, $0x0;
	[tilespmem:$0x3A00] =	vst v4;
	s17 =	spop (v2sf);
	(v2sf) =	vpush v3, $0x4  }
0x2c: {  	v30 =	vbroadcast v2, $0x8;
	[tilespmem:$0x3A10] =	vst v5;
	s19 =	spop (v2sf);
	(v2sf) =	vpush v3, $0xC  }
0x2d: {  	v32 =	vbroadcast v3, $0x1;
	[tilespmem:$0x3A20] =	vst v29;
	s0 =	ssub.f32 s2, s30;
	s30 =	spop (v2sf);
	(v2sf) =	vpush v2, $0x4  }
0x2e: {  	v33 =	vbroadcast v3, $0x9;
	[tilespmem:$0x3A30] =	vst v30;
	s1 =	ssub.f32 s3, s31;
	s31 =	spop (v2sf);
	(v2sf) =	vpush v2, $0xC  }
0x2f: {  	v34 =	vbroadcast v2, $0x1;
	[tilespmem:$0x3A50] =	vst v32  }
0x30: {  	v35 =	vbroadcast v2, $0x9;
	[tilespmem:$0x3A60] =	vst v33  }
0x31: {  	v37 =	vbroadcast v3, $0x2;
	[tilespmem:$0x3A70] =	vst v34;
	s0 =	smul.f32 s1, s0  }
0x32: {  	v38 =	vbroadcast v3, $0xA;
	[tilespmem:$0x3A80] =	vst v35;
	s2 =	ssub.f32 s30, s17;
	s17 =	spop (v2sf);
	(v2sf) =	vpush v3, $0x5  }
0x33: {  	v39 =	vbroadcast v2, $0x2;
	[tilespmem:$0x3AA0] =	vst v37;
	v31 =	vmov s0;
	s0 =	ssub.f32 s31, s19;
	s19 =	spop (v2sf);
	(v2sf) =	vpush v3, $0xD  }
0x34: {  	v40 =	vbroadcast v2, $0xA;
	[tilespmem:$0x3AB0] =	vst v38;
	s30 =	spop (v2sf);
	(v2sf) =	vpush v2, $0x5  }
0x35: {  	v42 =	vbroadcast v3, $0x3;
	[tilespmem:$0x3AC0] =	vst v39;
	s0 =	smul.f32 s0, s2;
	s31 =	spop (v2sf);
	(v2sf) =	vpush v2, $0xD  }
0x36: {  	v43 =	vbroadcast v3, $0xB;
	[tilespmem:$0x3AD0] =	vst v40;
	s1 =	ssub.f32 s30, s17;
	s17 =	spop (v2sf);
	(v2sf) =	vpush v3, $0x6  }
0x37: {  	v44 =	vbroadcast v2, $0x3;
	[tilespmem:$0x3AF0] =	vst v42;
	v36 =	vmov s0;
	s0 =	ssub.f32 s31, s19;
	s19 =	spop (v2sf);
	(v2sf) =	vpush v3, $0xE  }
0x38: {  	v45 =	vbroadcast v2, $0xB;
	[tilespmem:$0x3B00] =	vst v43;
	s30 =	spop (v2sf);
	(v2sf) =	vpush v2, $0x6  }
0x39: {  	v47 =	vbroadcast v3, $0x4;
	[tilespmem:$0x3B10] =	vst v44;
	s0 =	smul.f32 s0, s1;
	s31 =	spop (v2sf);
	(v2sf) =	vpush v2, $0xE  }
0x3a: {  	v48 =	vbroadcast v3, $0xC;
	[tilespmem:$0x3B20] =	vst v45;
	s2 =	ssub.f32 s30, s17;
	s17 =	spop (v2sf);
	(v2sf) =	vpush v3, $0x7  }
0x3b: {  	v49 =	vbroadcast v2, $0x4;
	[tilespmem:$0x3B40] =	vst v47;
	v41 =	vmov s0;
	s0 =	ssub.f32 s31, s19;
	s19 =	spop (v2sf);
	(v2sf) =	vpush v3, $0xF  }
0x3c: {  	v50 =	vbroadcast v2, $0xC;
	[tilespmem:$0x3B50] =	vst v48;
	s30 =	spop (v2sf);
	(v2sf) =	vpush v2, $0x7  }
0x3d: {  	v52 =	vbroadcast v3, $0x5;
	[tilespmem:$0x3B60] =	vst v49;
	s31 =	spop (v2sf);
	(v2sf) =	vpush v2, $0xF  }
0x3e: {  	v53 =	vbroadcast v3, $0xD;
	[tilespmem:$0x3B70] =	vst v50  }
0x3f: {  	v54 =	vbroadcast v2, $0x5;
	[tilespmem:$0x3B90] =	vst v52;
	s0 =	smul.f32 s0, s2  }
0x40: {  	v55 =	vbroadcast v2, $0xD;
	[tilespmem:$0x3BA0] =	vst v53;
	s1 =	ssub.f32 s30, s17  }
0x41: {  	v57 =	vbroadcast v3, $0x6;
	[tilespmem:$0x3BB0] =	vst v54;
	v46 =	vmov s0;
	s0 =	ssub.f32 s31, s19;
	s17 =	spop (v2sf)  }
0x42: {  	v58 =	vbroadcast v3, $0xE;
	[tilespmem:$0x3BC0] =	vst v55;
	s19 =	spop (v2sf)  }
0x43: {  	v59 =	vbroadcast v2, $0x6;
	[tilespmem:$0x3BE0] =	vst v57;
	s0 =	smul.f32 s0, s1;
	s30 =	spop (v2sf)  }
0x44: {  	v60 =	vbroadcast v2, $0xE;
	[tilespmem:$0x3BF0] =	vst v58;
	s31 =	spop (v2sf);
	s1 =	ssub.f32 s30, s17  }
0x45: {  	v62 =	vbroadcast v3, $0x7;
	[tilespmem:$0x3C00] =	vst v59;
	v51 =	vmov s0;
	s0 =	ssub.f32 s31, s19;
	s17 =	spop (v2sf)  }
0x46: {  	v63 =	vbroadcast v2, $0x7;
	[tilespmem:$0x3C10] =	vst v60;
	s19 =	spop (v2sf)  }
0x47: {  	[tilespmem:$0x3C30] =	vst v62;
	s0 =	smul.f32 s0, s1;
	s30 =	spop (v2sf)  }
0x48: {  	[tilespmem:$0x3C50] =	vst v63;
	s31 =	spop (v2sf);
	s1 =	ssub.f32 s30, s17  }
0x49: {  	[tilespmem:$0x3A40] =	vst v31;
	v56 =	vmov s0;
	s0 =	ssub.f32 s31, s19;
	s17 =	spop (v2sf)  }
0x4a: {  	[tilespmem:$0x3A90] =	vst v36;
	v3 =	vbroadcast v3, $0xF;
	s19 =	spop (v2sf)  }
0x4b: {  	[tilespmem:$0x3AE0] =	vst v41;
	s0 =	smul.f32 s0, s1;
	s30 =	spop (v2sf)  }
0x4c: {  	[tilespmem:$0x3C40] =	vst v3;
	v2 =	vbroadcast v2, $0xF;
	s31 =	spop (v2sf);
	s1 =	ssub.f32 s30, s17  }
0x4d: {  	[tilespmem:$0x3B30] =	vst v46;
	v61 =	vmov s0;
	s0 =	ssub.f32 s31, s19  }
0x4e: {  	[tilespmem:$0x3C60] =	vst v2  }
0x4f: {  	[tilespmem:$0x3B80] =	vst v51;
	s0 =	smul.f32 s0, s1  }
0x50: {  	[tilespmem:$0x3BD0] =	vst v56  }
0x51: {  	[tilespmem:$0x3C20] =	vst v61;
	v2 =	vmov s0  }
0x52: {  	[tilespmem:$0x3C70] =	vst v2  }
0x53: {  	v2 =	vld [tilespmem:$0x3980];
	[tilespmem:s4], [sflag:$0x1] =	stream.strided.gather [hbm4b:s7+s20], $0x1C00, s21, s20, $0x38  }
0x54: {  	_ = 	snop  }
0x55: {  	[tilespmem:s22], [sflag:$0x2] =	stream.strided.gather [hbm4b:s8+s20], $0x1C00, s21, s20, $0x38;
	[tilespmem:$0x3C80] =	vst v63  }
0x56: {  	_ =	swait.ge [sflag:s23], $0x1C00  }
0x57: {  	[sflag:s23] =	ssyncset.done $0x0  }
0x58: {  	s28 =	simm.s32 $0xC00;
	s29 =	simm.s32 $0x0;
	[sflag:s23] =	ssyncadd.s32 $0xFFFFE400  }
.LBB2_2:
0x59: {  	v3 =	vld [tilespmem:s28+$0xFFFFFC00]  }
0x5a: {  	v6 =	vld [tilespmem:s28+$0x0]  }
0x5b: {  	s0 =	smul.u32 $0x140, s29;
	v8 =	vld [tilespmem:s28+$0xFFFFF400]  }
0x5c: {  	v9 =	vld [tilespmem:s28+$0xFFFFF800]  }
0x5d: {  	s0 =	sshra.s32 s0, $0x2  }
0x5e: {  	v4 =	vld [tilespmem:s0+$0x3A00];
	v3 =	vmul.f32 v3, v1  }
0x5f: {  	v5 =	vld [tilespmem:s0+$0x3A10];
	v10 =	vmul.f32 v6, v1  }
0x60: {  	v6 =	vld [tilespmem:s0+$0x3A20];
	v11 =	vsub.f32 v8, v3  }
0x61: {  	v7 =	vld [tilespmem:s0+$0x3A30];
	v12 =	vsub.f32 v9, v10;
	v8 =	vadd.f32 v3, v8  }
0x62: {  	s31 =	sadd.s32 $0x10, s28;
	v13 =	vld [tilespmem:s28+$0xC00];
	v9 =	vadd.f32 v10, v9;
	v11 =	vmul.f32 $6.400000000e+02, v11  }
0x63: {  	v16 =	vld [tilespmem:s31+$0x0];
	v10 =	vmul.f32 $6.400000000e+02, v12;
	v8 =	vmul.f32 $6.400000000e+02, v8  }
0x64: {  	v12 =	vld [tilespmem:s31+$0xFFFFFC00];
	v9 =	vmul.f32 $6.400000000e+02, v9  }
0x65: {  	v3 =	vld [tilespmem:s0+$0x3A40];
	v14 =	vmax.f32 v11, v4;
	v15 =	vmax.f32 v10, v5;
	v17 =	vmin.f32 v8, v6  }
0x66: {  	v19 =	vld [tilespmem:s31+$0xFFFFF400];
	v18 =	vmin.f32 v9, v7;
	v8 =	vsub.f32 v8, v11;
	v9 =	vsub.f32 v9, v10  }
0x67: {  	v13 =	vtrunc.f32 v13;
	v10 =	vld [tilespmem:s31+$0xFFFFF800];
	v11 =	vsub.f32 v17, v14;
	v14 =	vsub.f32 v18, v15  }
0x68: {  	v13 =	vcvt.f32.s32 v13;
	v8 =	vmul.f32 v9, v8  }
0x69: {  	v12 =	vmul.f32 v12, v1;
	v11 =	vmax.f32 v11, $0.0e+00;
	v14 =	vmax.f32 v14, $0.0e+00  }
0x6a: {  	v15 =	vmul.f32 v16, v1;
	v9 =	vld [tilespmem:s28+$0x400];
	v11 =	vmul.f32 v14, v11;
	v8 =	vadd.f32 v8, v3  }
0x6b: {  	s17 =	simm.s32 $0x0;
	vm9 =	vmmov vm0;
	v14 =	vsub.f32 v19, v12  }
0x6c: {  	s0 =	sor.u32 s5, s17;
	vm11 =	veq.s32 v13, $0x0;
	v16 =	vsub.f32 v10, v15;
	v17 =	vsub.f32 v8, v11  }
0x6d: {  	p0 =	slt.u32 s0, $0x4E20;
	s0 =	sadd.s32 $0x10, s31;
	v10 =	vadd.f32 v15, v10;
	v18 =	vmul.f32 $6.400000000e+02, v14;
	v14 =	vadd.f32 v12, v19  }
0x6e: {  	s19 =	sshll.u32 s29, $0x6;
	vm9 =	vmneg @p0 vm9;
	v13 =	vld [tilespmem:s0+$0xFFFFF800];
	v16 =	vmul.f32 $6.400000000e+02, v16;
	v15 =	vmul.f32 v17, v2  }
0x6f: {  	s30 =	sshrl.u32 s19, $0x2;
	vm10 =	vgt.f32 v9, $2.000000030e-01;
	v12 =	vld [tilespmem:s0+$0xFFFFFC00];
	v19 =	vmul.f32 $6.400000000e+02, v10;
	v17 =	vmul.f32 $6.400000000e+02, v14  }
0x70: {  	v8 =	vld [tilespmem:s30+$0x3800];
	v20 =	vmax.f32 v18, v4;
	v21 =	vmax.f32 v16, v5;
	vm12 =	vge.f32 v11, v15  }
0x71: {  	v10 =	vld [tilespmem:s31+$0xC00];
	v23 =	vmin.f32 v19, v7;
	v22 =	vmin.f32 v17, v6;
	vm10 =	vmand vm10, vm12  }
0x72: {  	v14 =	vld [tilespmem:s0+$0x0];
	v15 =	vsub.f32 v17, v18;
	v17 =	vsub.f32 v19, v16;
	vm10 =	vmand vm11, vm10  }
0x73: {  	s1 =	simm.s32 $0x10;
	s3 =	simm.s32 $0x20;
	s2 =	simm.s32 $0x30;
	v11 =	vld [tilespmem:s0+$0xFFFFF400];
	v16 =	vsub.f32 v23, v21;
	v18 =	vsub.f32 v22, v20;
	vm9 =	vmand vm9, vm10  }
.LBB2_3:
0x74: {  	v12 =	vmul.f32 v12, v1  }
0x75: {  	p0 =	sne.s32 s2, $0x70;
	v15 =	vmul.f32 v17, v15;
	v17 =	vnsel vm9, $0xF149F2CA, v9;
	vm9 =	vmmov vm0  }
0x76: {  	s17 =	sor.u32 s5, s1;
	s1 =	smov.u32 s3;
	v9 =	vld [tilespmem:s31+$0x400];
	v18 =	vmax.f32 v18, $0.0e+00;
	v16 =	vmax.f32 v16, $0.0e+00;
	v8 =	vmax.f32 v8, v17;
	s31 =	smov.u32 s0  }
0x77: {  	s3 =	smov.u32 s2;
	p1 =	slt.u32 s17, $0x4E20;
	v14 =	vmul.f32 v14, v1;
	v16 =	vmul.f32 v16, v18;
	v15 =	vadd.f32 v15, v3  }
0x78: {  	v10 =	vtrunc.f32 v10;
	vm9 =	vmneg @p1 vm9;
	v17 =	vsub.f32 v11, v12  }
0x79: {  	v10 =	vcvt.f32.s32 v10;
	v18 =	vsub.f32 v13, v14;
	v15 =	vsub.f32 v15, v16  }
0x7a: {  	v11 =	vadd.f32 v12, v11;
	v13 =	vadd.f32 v14, v13;
	v17 =	vmul.f32 $6.400000000e+02, v17  }
0x7b: {  	s0 =	sadd.s32 $0x10, s0;
	v18 =	vmul.f32 $6.400000000e+02, v18;
	vm10 =	vgt.f32 v9, $2.000000030e-01;
	v14 =	vmul.f32 v15, v2  }
.Ltmp0:
0x7c: {  	vm11 =	veq.s32 v10, $0x0;
	v15 =	vmul.f32 $6.400000000e+02, v11;
	v13 =	vmul.f32 $6.400000000e+02, v13;
	v12 =	vld [tilespmem:s0+$0xFFFFFC00];
	(pc) =	sbr.rel @p0 .LBB2_3-.Ltmp0, $4  }
0x7d: {  	v19 =	vmax.f32 v17, v4;
	v10 =	vld [tilespmem:s31+$0xC00];
	v20 =	vmax.f32 v18, v5;
	vm12 =	vge.f32 v16, v14  }
0x7e: {  	v16 =	vmin.f32 v15, v6;
	v21 =	vmin.f32 v13, v7;
	v14 =	vld [tilespmem:s0+$0x0];
	vm10 =	vmand vm10, vm12  }
0x7f: {  	v15 =	vsub.f32 v15, v17;
	v17 =	vsub.f32 v13, v18;
	v11 =	vld [tilespmem:s0+$0xFFFFF400];
	vm10 =	vmand vm11, vm10  }
0x80: {  	s2 =	sadd.s32 $0x10, s2;
	v18 =	vsub.f32 v16, v19;
	v16 =	vsub.f32 v21, v20;
	v13 =	vld [tilespmem:s0+$0xFFFFF800];
	vm9 =	vmand vm9, vm10  }
0x81: {  	_ = 	snop  }
0x82: {  	v12 =	vmul.f32 v12, v1  }
0x83: {  	v14 =	vmul.f32 v14, v1  }
0x84: {  	v19 =	vsub.f32 v11, v12;
	v48 =	vadd.f32 v12, v11  }
0x85: {  	v15 =	vmul.f32 v17, v15;
	v49 =	vsub.f32 v13, v14;
	v50 =	vadd.f32 v14, v13  }
0x86: {  	v51 =	vmul.f32 $6.400000000e+02, v19;
	v11 =	vmul.f32 $6.400000000e+02, v48  }
0x87: {  	v52 =	vmax.f32 v18, $0.0e+00;
	v12 =	vmul.f32 $6.400000000e+02, v49;
	v13 =	vmul.f32 $6.400000000e+02, v50  }
0x88: {  	v4 =	vmax.f32 v51, v4;
	v6 =	vmin.f32 v11, v6;
	v11 =	vsub.f32 v11, v51  }
0x89: {  	v5 =	vmax.f32 v12, v5;
	v7 =	vmin.f32 v13, v7;
	v12 =	vsub.f32 v13, v12  }
0x8a: {  	v53 =	vmax.f32 v16, $0.0e+00;
	v4 =	vsub.f32 v6, v4;
	v5 =	vsub.f32 v7, v5  }
0x8b: {  	v54 =	vld [tilespmem:s31+$0x400];
	v55 =	vmul.f32 v53, v52;
	v56 =	vadd.f32 v15, v3;
	v11 =	vmul.f32 v12, v11  }
0x8c: {  	v57 =	vld [tilespmem:s0+$0xC00];
	v10 =	vtrunc.f32 v10;
	v4 =	vmax.f32 v4, $0.0e+00;
	v5 =	vmax.f32 v5, $0.0e+00  }
0x8d: {  	v59 =	vld [tilespmem:s0+$0x400];
	v58 =	vsub.f32 v56, v55;
	v4 =	vmul.f32 v5, v4;
	v3 =	vadd.f32 v11, v3  }
0x8e: {  	s1 =	sor.u32 s5, s1;
	v9 =	vnsel vm9, $0xF149F2CA, v9;
	v10 =	vcvt.f32.s32 v10  }
0x8f: {  	vm9 =	vmmov vm0;
	p0 =	slt.u32 s1, $0x4E20;
	v5 =	vmul.f32 v58, v2;
	v3 =	vsub.f32 v3, v4  }
0x90: {  	vm9 =	vmneg @p0 vm9;
	vm11 =	veq.s32 v10, $0x0;
	vm10 =	vgt.f32 v54, $2.000000030e-01  }
0x91: {  	v60 =	vtrunc.f32 v57;
	vm12 =	vge.f32 v55, v5;
	v3 =	vmul.f32 v3, v2  }
0x92: {  	s31 =	sor.u32 s5, s3;
	v61 =	vcvt.f32.s32 v60;
	vm10 =	vmand vm10, vm12;
	vm12 =	vgt.f32 v59, $2.000000030e-01  }
0x93: {  	s29 =	sadd.s32 $0x1, s29;
	p0 =	slt.u32 s31, $0x4E20;
	vm10 =	vmand vm11, vm10;
	vm11 =	vmmov vm0;
	vm13 =	vge.f32 v4, v3  }
0x94: {  	vm11 =	vmneg @p0 vm11;
	p0 =	sne.s32 s29, $0x8;
	vm12 =	vmand vm12, vm13;
	vm13 =	veq.s32 v61, $0x0  }
.Ltmp1:
0x95: {  	vm9 =	vmand vm9, vm10;
	vm10 =	vmand vm13, vm12;
	(pc) =	sbr.rel @p0 .LBB2_2-.Ltmp1, $4  }
0x96: {  	v3 =	vmax.f32 v8, v9;
	v62 =	vnsel vm9, $0xF149F2CA, v54;
	vm9 =	vmand vm11, vm10  }
0x97: {  	v3 =	vmax.f32 v3, v62;
	v63 =	vnsel vm9, $0xF149F2CA, v59  }
0x98: {  	v3 =	vmax.f32 v3, v63  }
0x99: {  	s28 =	sadd.s32 $0x80, s28;
	[tilespmem:s30+$0x3800] =	vst v3  }
0x9a: {  	s28 =	simm.s32 $0x0  }
0x9b: {  	[tilespmem:s28], [sflag:$0x1] =	stream.strided.gather [hbm4b:s10+s20], $0x1C00, s21, s20, $0x38;
	[tilespmem:$0x3C80] =	vst v63  }
0x9c: {  	_ =	swait.ge [sflag:s24], $0x1C00  }
0x9d: {  	[sflag:s24] =	ssyncset.done $0x0  }
0x9e: {  	s29 =	simm.s32 $0x2800;
	s30 =	simm.s32 $0x0;
	[sflag:s24] =	ssyncadd.s32 $0xFFFFE400  }
.LBB2_6:
0x9f: {  	v3 =	vld [tilespmem:s29+$0xFFFFFC00]  }
0xa0: {  	v6 =	vld [tilespmem:s29+$0x0]  }
0xa1: {  	s0 =	smul.u32 $0x140, s30;
	v8 =	vld [tilespmem:s29+$0xFFFFF400]  }
0xa2: {  	v9 =	vld [tilespmem:s29+$0xFFFFF800]  }
0xa3: {  	s0 =	sshra.s32 s0, $0x2  }
0xa4: {  	v4 =	vld [tilespmem:s0+$0x3A00];
	v3 =	vmul.f32 v3, v1  }
0xa5: {  	v5 =	vld [tilespmem:s0+$0x3A10];
	v10 =	vmul.f32 v6, v1  }
0xa6: {  	v6 =	vld [tilespmem:s0+$0x3A20];
	v11 =	vsub.f32 v8, v3  }
0xa7: {  	v7 =	vld [tilespmem:s0+$0x3A30];
	v12 =	vsub.f32 v9, v10;
	v8 =	vadd.f32 v3, v8  }
0xa8: {  	v13 =	vld [tilespmem:s29+$0xC00];
	v9 =	vadd.f32 v10, v9;
	v11 =	vmul.f32 $6.400000000e+02, v11  }
0xa9: {  	v3 =	vld [tilespmem:s0+$0x3A40];
	s0 =	sadd.s32 $0x10, s29;
	v10 =	vmul.f32 $6.400000000e+02, v12;
	v8 =	vmul.f32 $6.400000000e+02, v8  }
0xaa: {  	v12 =	vld [tilespmem:s0+$0xFFFFFC00];
	v9 =	vmul.f32 $6.400000000e+02, v9  }
0xab: {  	v16 =	vld [tilespmem:s0+$0x0];
	v14 =	vmax.f32 v11, v4;
	v15 =	vmax.f32 v10, v5;
	v17 =	vmin.f32 v8, v6  }
0xac: {  	v19 =	vld [tilespmem:s0+$0xFFFFF400];
	v18 =	vmin.f32 v9, v7;
	v8 =	vsub.f32 v8, v11;
	v9 =	vsub.f32 v9, v10  }
0xad: {  	v10 =	vld [tilespmem:s0+$0xFFFFF800];
	v11 =	vsub.f32 v17, v14;
	v14 =	vsub.f32 v18, v15  }
0xae: {  	vm9 =	vmmov vm0;
	v8 =	vmul.f32 v9, v8  }
0xaf: {  	s1 =	sor.u32 s6, s28;
	v12 =	vmul.f32 v12, v1;
	v11 =	vmax.f32 v11, $0.0e+00;
	v14 =	vmax.f32 v14, $0.0e+00  }
0xb0: {  	p0 =	slt.u32 s1, $0x4E20;
	v9 =	vld [tilespmem:s29+$0x400];
	v15 =	vmul.f32 v16, v1;
	v11 =	vmul.f32 v14, v11;
	v8 =	vadd.f32 v8, v3  }
0xb1: {  	vm9 =	vmneg @p0 vm9;
	v13 =	vtrunc.f32 v13;
	v14 =	vsub.f32 v19, v12  }
0xb2: {  	v13 =	vcvt.f32.s32 v13;
	v16 =	vsub.f32 v10, v15;
	v17 =	vsub.f32 v8, v11  }
0xb3: {  	s3 =	sadd.s32 $0x10, s0;
	v10 =	vadd.f32 v15, v10;
	v18 =	vmul.f32 $6.400000000e+02, v14;
	v14 =	vadd.f32 v12, v19  }
0xb4: {  	s19 =	sshll.u32 s30, $0x6;
	vm11 =	veq.s32 v13, $0x0;
	v13 =	vld [tilespmem:s3+$0xFFFFF800];
	v16 =	vmul.f32 $6.400000000e+02, v16;
	v15 =	vmul.f32 v17, v2  }
0xb5: {  	s31 =	sshrl.u32 s19, $0x2;
	vm10 =	vgt.f32 v9, $2.000000030e-01;
	v12 =	vld [tilespmem:s3+$0xFFFFFC00];
	v19 =	vmul.f32 $6.400000000e+02, v10;
	v17 =	vmul.f32 $6.400000000e+02, v14  }
0xb6: {  	v8 =	vld [tilespmem:s31+$0x3800];
	v20 =	vmax.f32 v18, v4;
	v21 =	vmax.f32 v16, v5;
	vm12 =	vge.f32 v11, v15  }
0xb7: {  	v10 =	vld [tilespmem:s0+$0xC00];
	v23 =	vmin.f32 v19, v7;
	v22 =	vmin.f32 v17, v6;
	vm10 =	vmand vm10, vm12  }
0xb8: {  	v14 =	vld [tilespmem:s3+$0x0];
	v15 =	vsub.f32 v17, v18;
	v17 =	vsub.f32 v19, v16;
	vm10 =	vmand vm11, vm10  }
0xb9: {  	s2 =	simm.s32 $0x10;
	s17 =	simm.s32 $0x30;
	s1 =	simm.s32 $0x20;
	v11 =	vld [tilespmem:s3+$0xFFFFF400];
	v16 =	vsub.f32 v23, v21;
	v18 =	vsub.f32 v22, v20;
	vm9 =	vmand vm9, vm10  }
.LBB2_7:
0xba: {  	v12 =	vmul.f32 v12, v1  }
0xbb: {  	p0 =	sne.s32 s17, $0x70;
	v15 =	vmul.f32 v17, v15;
	v17 =	vnsel vm9, $0xF149F2CA, v9;
	vm9 =	vmmov vm0  }
0xbc: {  	s19 =	sor.u32 s6, s2;
	s2 =	smov.u32 s1;
	v9 =	vld [tilespmem:s0+$0x400];
	v18 =	vmax.f32 v18, $0.0e+00;
	v16 =	vmax.f32 v16, $0.0e+00;
	v8 =	vmax.f32 v8, v17;
	s0 =	smov.u32 s3  }
0xbd: {  	s1 =	smov.u32 s17;
	p1 =	slt.u32 s19, $0x4E20;
	v14 =	vmul.f32 v14, v1;
	v16 =	vmul.f32 v16, v18;
	v15 =	vadd.f32 v15, v3  }
0xbe: {  	v10 =	vtrunc.f32 v10;
	vm9 =	vmneg @p1 vm9;
	v17 =	vsub.f32 v11, v12  }
0xbf: {  	v10 =	vcvt.f32.s32 v10;
	v18 =	vsub.f32 v13, v14;
	v15 =	vsub.f32 v15, v16  }
0xc0: {  	v11 =	vadd.f32 v12, v11;
	v13 =	vadd.f32 v14, v13;
	v17 =	vmul.f32 $6.400000000e+02, v17  }
0xc1: {  	s3 =	sadd.s32 $0x10, s3;
	v18 =	vmul.f32 $6.400000000e+02, v18;
	vm10 =	vgt.f32 v9, $2.000000030e-01;
	v14 =	vmul.f32 v15, v2  }
.Ltmp2:
0xc2: {  	vm11 =	veq.s32 v10, $0x0;
	v15 =	vmul.f32 $6.400000000e+02, v11;
	v13 =	vmul.f32 $6.400000000e+02, v13;
	v12 =	vld [tilespmem:s3+$0xFFFFFC00];
	(pc) =	sbr.rel @p0 .LBB2_7-.Ltmp2, $4  }
0xc3: {  	v19 =	vmax.f32 v17, v4;
	v10 =	vld [tilespmem:s0+$0xC00];
	v20 =	vmax.f32 v18, v5;
	vm12 =	vge.f32 v16, v14  }
0xc4: {  	v16 =	vmin.f32 v15, v6;
	v21 =	vmin.f32 v13, v7;
	v14 =	vld [tilespmem:s3+$0x0];
	vm10 =	vmand vm10, vm12  }
0xc5: {  	v15 =	vsub.f32 v15, v17;
	v17 =	vsub.f32 v13, v18;
	v11 =	vld [tilespmem:s3+$0xFFFFF400];
	vm10 =	vmand vm11, vm10  }
0xc6: {  	s17 =	sadd.s32 $0x10, s17;
	v18 =	vsub.f32 v16, v19;
	v16 =	vsub.f32 v21, v20;
	v13 =	vld [tilespmem:s3+$0xFFFFF800];
	vm9 =	vmand vm9, vm10  }
0xc7: {  	_ = 	snop  }
0xc8: {  	v12 =	vmul.f32 v12, v1  }
0xc9: {  	v14 =	vmul.f32 v14, v1  }
0xca: {  	v19 =	vsub.f32 v11, v12;
	v48 =	vadd.f32 v12, v11  }
0xcb: {  	v15 =	vmul.f32 v17, v15;
	v49 =	vsub.f32 v13, v14;
	v50 =	vadd.f32 v14, v13  }
0xcc: {  	v51 =	vmul.f32 $6.400000000e+02, v19;
	v11 =	vmul.f32 $6.400000000e+02, v48  }
0xcd: {  	v52 =	vmax.f32 v18, $0.0e+00;
	v12 =	vmul.f32 $6.400000000e+02, v49;
	v13 =	vmul.f32 $6.400000000e+02, v50  }
0xce: {  	v4 =	vmax.f32 v51, v4;
	v6 =	vmin.f32 v11, v6;
	v11 =	vsub.f32 v11, v51  }
0xcf: {  	v5 =	vmax.f32 v12, v5;
	v7 =	vmin.f32 v13, v7;
	v12 =	vsub.f32 v13, v12  }
0xd0: {  	v53 =	vmax.f32 v16, $0.0e+00;
	v4 =	vsub.f32 v6, v4;
	v5 =	vsub.f32 v7, v5  }
0xd1: {  	v54 =	vld [tilespmem:s0+$0x400];
	v55 =	vmul.f32 v53, v52;
	v56 =	vadd.f32 v15, v3;
	v11 =	vmul.f32 v12, v11  }
0xd2: {  	v57 =	vld [tilespmem:s3+$0xC00];
	v10 =	vtrunc.f32 v10;
	v4 =	vmax.f32 v4, $0.0e+00;
	v5 =	vmax.f32 v5, $0.0e+00  }
0xd3: {  	v59 =	vld [tilespmem:s3+$0x400];
	v58 =	vsub.f32 v56, v55;
	v4 =	vmul.f32 v5, v4;
	v3 =	vadd.f32 v11, v3  }
0xd4: {  	s17 =	sor.u32 s6, s2;
	v9 =	vnsel vm9, $0xF149F2CA, v9;
	v10 =	vcvt.f32.s32 v10  }
0xd5: {  	vm9 =	vmmov vm0;
	p0 =	slt.u32 s17, $0x4E20;
	v5 =	vmul.f32 v58, v2;
	v3 =	vsub.f32 v3, v4  }
0xd6: {  	vm9 =	vmneg @p0 vm9;
	vm11 =	veq.s32 v10, $0x0;
	vm10 =	vgt.f32 v54, $2.000000030e-01  }
0xd7: {  	v60 =	vtrunc.f32 v57;
	vm12 =	vge.f32 v55, v5;
	v3 =	vmul.f32 v3, v2  }
0xd8: {  	s19 =	sor.u32 s6, s1;
	v61 =	vcvt.f32.s32 v60;
	vm10 =	vmand vm10, vm12;
	vm12 =	vgt.f32 v59, $2.000000030e-01  }
0xd9: {  	s30 =	sadd.s32 $0x1, s30;
	p0 =	slt.u32 s19, $0x4E20;
	vm10 =	vmand vm11, vm10;
	vm11 =	vmmov vm0;
	vm13 =	vge.f32 v4, v3  }
0xda: {  	vm11 =	vmneg @p0 vm11;
	p0 =	sne.s32 s30, $0x8;
	vm12 =	vmand vm12, vm13;
	vm13 =	veq.s32 v61, $0x0  }
.Ltmp3:
0xdb: {  	vm9 =	vmand vm9, vm10;
	vm10 =	vmand vm13, vm12;
	(pc) =	sbr.rel @p0 .LBB2_6-.Ltmp3, $4  }
0xdc: {  	v3 =	vmax.f32 v8, v9;
	v62 =	vnsel vm9, $0xF149F2CA, v54;
	vm9 =	vmand vm11, vm10  }
0xdd: {  	v3 =	vmax.f32 v3, v62;
	v63 =	vnsel vm9, $0xF149F2CA, v59  }
0xde: {  	v3 =	vmax.f32 v3, v63  }
0xdf: {  	s29 =	sadd.s32 $0x80, s29;
	[tilespmem:s31+$0x3800] =	vst v3  }
0xe0: {  	[tilespmem:s22], [sflag:$0x2] =	stream.strided.gather [hbm4b:s12+s20], $0x1C00, s21, s20, $0x38;
	[tilespmem:$0x3C80] =	vst v63  }
0xe1: {  	_ =	swait.ge [sflag:s23], $0x1C00  }
0xe2: {  	s28 =	simm.s32 $0x0;
	[sflag:s23] =	ssyncset.done $0x0  }
0xe3: {  	s29 =	simm.s32 $0xC00;
	s30 =	simm.s32 $0x0;
	[sflag:s23] =	ssyncadd.s32 $0xFFFFE400  }
.LBB2_10:
0xe4: {  	v3 =	vld [tilespmem:s29+$0xFFFFFC00]  }
0xe5: {  	v6 =	vld [tilespmem:s29+$0x0]  }
0xe6: {  	s0 =	smul.u32 $0x140, s30;
	v8 =	vld [tilespmem:s29+$0xFFFFF400]  }
0xe7: {  	v9 =	vld [tilespmem:s29+$0xFFFFF800]  }
0xe8: {  	s0 =	sshra.s32 s0, $0x2  }
0xe9: {  	v4 =	vld [tilespmem:s0+$0x3A00];
	v3 =	vmul.f32 v3, v1  }
0xea: {  	v5 =	vld [tilespmem:s0+$0x3A10];
	v10 =	vmul.f32 v6, v1  }
0xeb: {  	v6 =	vld [tilespmem:s0+$0x3A20];
	v11 =	vsub.f32 v8, v3  }
0xec: {  	v7 =	vld [tilespmem:s0+$0x3A30];
	v12 =	vsub.f32 v9, v10;
	v8 =	vadd.f32 v3, v8  }
0xed: {  	v13 =	vld [tilespmem:s29+$0xC00];
	v9 =	vadd.f32 v10, v9;
	v11 =	vmul.f32 $6.400000000e+02, v11  }
0xee: {  	v3 =	vld [tilespmem:s0+$0x3A40];
	s0 =	sadd.s32 $0x10, s29;
	v10 =	vmul.f32 $6.400000000e+02, v12;
	v8 =	vmul.f32 $6.400000000e+02, v8  }
0xef: {  	v12 =	vld [tilespmem:s0+$0xFFFFFC00];
	v9 =	vmul.f32 $6.400000000e+02, v9  }
0xf0: {  	v16 =	vld [tilespmem:s0+$0x0];
	v14 =	vmax.f32 v11, v4;
	v15 =	vmax.f32 v10, v5;
	v17 =	vmin.f32 v8, v6  }
0xf1: {  	v19 =	vld [tilespmem:s0+$0xFFFFF400];
	v18 =	vmin.f32 v9, v7;
	v8 =	vsub.f32 v8, v11;
	v9 =	vsub.f32 v9, v10  }
0xf2: {  	v10 =	vld [tilespmem:s0+$0xFFFFF800];
	v11 =	vsub.f32 v17, v14;
	v14 =	vsub.f32 v18, v15  }
0xf3: {  	vm9 =	vmmov vm0;
	v8 =	vmul.f32 v9, v8  }
0xf4: {  	s1 =	sor.u32 s9, s28;
	v12 =	vmul.f32 v12, v1;
	v11 =	vmax.f32 v11, $0.0e+00;
	v14 =	vmax.f32 v14, $0.0e+00  }
0xf5: {  	p0 =	slt.u32 s1, $0x4E20;
	v9 =	vld [tilespmem:s29+$0x400];
	v15 =	vmul.f32 v16, v1;
	v11 =	vmul.f32 v14, v11;
	v8 =	vadd.f32 v8, v3  }
0xf6: {  	vm9 =	vmneg @p0 vm9;
	v13 =	vtrunc.f32 v13;
	v14 =	vsub.f32 v19, v12  }
0xf7: {  	v13 =	vcvt.f32.s32 v13;
	v16 =	vsub.f32 v10, v15;
	v17 =	vsub.f32 v8, v11  }
0xf8: {  	s3 =	sadd.s32 $0x10, s0;
	v10 =	vadd.f32 v15, v10;
	v18 =	vmul.f32 $6.400000000e+02, v14;
	v14 =	vadd.f32 v12, v19  }
0xf9: {  	s19 =	sshll.u32 s30, $0x6;
	vm11 =	veq.s32 v13, $0x0;
	v13 =	vld [tilespmem:s3+$0xFFFFF800];
	v16 =	vmul.f32 $6.400000000e+02, v16;
	v15 =	vmul.f32 v17, v2  }
0xfa: {  	s31 =	sshrl.u32 s19, $0x2;
	vm10 =	vgt.f32 v9, $2.000000030e-01;
	v12 =	vld [tilespmem:s3+$0xFFFFFC00];
	v19 =	vmul.f32 $6.400000000e+02, v10;
	v17 =	vmul.f32 $6.400000000e+02, v14  }
0xfb: {  	v8 =	vld [tilespmem:s31+$0x3800];
	v20 =	vmax.f32 v18, v4;
	v21 =	vmax.f32 v16, v5;
	vm12 =	vge.f32 v11, v15  }
0xfc: {  	v10 =	vld [tilespmem:s0+$0xC00];
	v23 =	vmin.f32 v19, v7;
	v22 =	vmin.f32 v17, v6;
	vm10 =	vmand vm10, vm12  }
0xfd: {  	v14 =	vld [tilespmem:s3+$0x0];
	v15 =	vsub.f32 v17, v18;
	v17 =	vsub.f32 v19, v16;
	vm10 =	vmand vm11, vm10  }
0xfe: {  	s2 =	simm.s32 $0x10;
	s17 =	simm.s32 $0x30;
	s1 =	simm.s32 $0x20;
	v11 =	vld [tilespmem:s3+$0xFFFFF400];
	v16 =	vsub.f32 v23, v21;
	v18 =	vsub.f32 v22, v20;
	vm9 =	vmand vm9, vm10  }
.LBB2_11:
0xff: {  	v12 =	vmul.f32 v12, v1  }
0x100: {  	p0 =	sne.s32 s17, $0x70;
	v15 =	vmul.f32 v17, v15;
	v17 =	vnsel vm9, $0xF149F2CA, v9;
	vm9 =	vmmov vm0  }
0x101: {  	s19 =	sor.u32 s9, s2;
	s2 =	smov.u32 s1;
	v9 =	vld [tilespmem:s0+$0x400];
	v18 =	vmax.f32 v18, $0.0e+00;
	v16 =	vmax.f32 v16, $0.0e+00;
	v8 =	vmax.f32 v8, v17;
	s0 =	smov.u32 s3  }
0x102: {  	s1 =	smov.u32 s17;
	p1 =	slt.u32 s19, $0x4E20;
	v14 =	vmul.f32 v14, v1;
	v16 =	vmul.f32 v16, v18;
	v15 =	vadd.f32 v15, v3  }
0x103: {  	v10 =	vtrunc.f32 v10;
	vm9 =	vmneg @p1 vm9;
	v17 =	vsub.f32 v11, v12  }
0x104: {  	v10 =	vcvt.f32.s32 v10;
	v18 =	vsub.f32 v13, v14;
	v15 =	vsub.f32 v15, v16  }
0x105: {  	v11 =	vadd.f32 v12, v11;
	v13 =	vadd.f32 v14, v13;
	v17 =	vmul.f32 $6.400000000e+02, v17  }
0x106: {  	s3 =	sadd.s32 $0x10, s3;
	v18 =	vmul.f32 $6.400000000e+02, v18;
	vm10 =	vgt.f32 v9, $2.000000030e-01;
	v14 =	vmul.f32 v15, v2  }
.Ltmp4:
0x107: {  	vm11 =	veq.s32 v10, $0x0;
	v15 =	vmul.f32 $6.400000000e+02, v11;
	v13 =	vmul.f32 $6.400000000e+02, v13;
	v12 =	vld [tilespmem:s3+$0xFFFFFC00];
	(pc) =	sbr.rel @p0 .LBB2_11-.Ltmp4, $4  }
0x108: {  	v19 =	vmax.f32 v17, v4;
	v10 =	vld [tilespmem:s0+$0xC00];
	v20 =	vmax.f32 v18, v5;
	vm12 =	vge.f32 v16, v14  }
0x109: {  	v16 =	vmin.f32 v15, v6;
	v21 =	vmin.f32 v13, v7;
	v14 =	vld [tilespmem:s3+$0x0];
	vm10 =	vmand vm10, vm12  }
0x10a: {  	v15 =	vsub.f32 v15, v17;
	v17 =	vsub.f32 v13, v18;
	v11 =	vld [tilespmem:s3+$0xFFFFF400];
	vm10 =	vmand vm11, vm10  }
0x10b: {  	s17 =	sadd.s32 $0x10, s17;
	v18 =	vsub.f32 v16, v19;
	v16 =	vsub.f32 v21, v20;
	v13 =	vld [tilespmem:s3+$0xFFFFF800];
	vm9 =	vmand vm9, vm10  }
0x10c: {  	_ = 	snop  }
0x10d: {  	v12 =	vmul.f32 v12, v1  }
0x10e: {  	v14 =	vmul.f32 v14, v1  }
0x10f: {  	v19 =	vsub.f32 v11, v12;
	v48 =	vadd.f32 v12, v11  }
0x110: {  	v15 =	vmul.f32 v17, v15;
	v49 =	vsub.f32 v13, v14;
	v50 =	vadd.f32 v14, v13  }
0x111: {  	v51 =	vmul.f32 $6.400000000e+02, v19;
	v11 =	vmul.f32 $6.400000000e+02, v48  }
0x112: {  	v52 =	vmax.f32 v18, $0.0e+00;
	v12 =	vmul.f32 $6.400000000e+02, v49;
	v13 =	vmul.f32 $6.400000000e+02, v50  }
0x113: {  	v4 =	vmax.f32 v51, v4;
	v6 =	vmin.f32 v11, v6;
	v11 =	vsub.f32 v11, v51  }
0x114: {  	v5 =	vmax.f32 v12, v5;
	v7 =	vmin.f32 v13, v7;
	v12 =	vsub.f32 v13, v12  }
0x115: {  	v53 =	vmax.f32 v16, $0.0e+00;
	v4 =	vsub.f32 v6, v4;
	v5 =	vsub.f32 v7, v5  }
0x116: {  	v54 =	vld [tilespmem:s0+$0x400];
	v55 =	vmul.f32 v53, v52;
	v56 =	vadd.f32 v15, v3;
	v11 =	vmul.f32 v12, v11  }
0x117: {  	v57 =	vld [tilespmem:s3+$0xC00];
	v10 =	vtrunc.f32 v10;
	v4 =	vmax.f32 v4, $0.0e+00;
	v5 =	vmax.f32 v5, $0.0e+00  }
0x118: {  	v59 =	vld [tilespmem:s3+$0x400];
	v58 =	vsub.f32 v56, v55;
	v4 =	vmul.f32 v5, v4;
	v3 =	vadd.f32 v11, v3  }
0x119: {  	s17 =	sor.u32 s9, s2;
	v9 =	vnsel vm9, $0xF149F2CA, v9;
	v10 =	vcvt.f32.s32 v10  }
0x11a: {  	vm9 =	vmmov vm0;
	p0 =	slt.u32 s17, $0x4E20;
	v5 =	vmul.f32 v58, v2;
	v3 =	vsub.f32 v3, v4  }
0x11b: {  	vm9 =	vmneg @p0 vm9;
	vm11 =	veq.s32 v10, $0x0;
	vm10 =	vgt.f32 v54, $2.000000030e-01  }
0x11c: {  	v60 =	vtrunc.f32 v57;
	vm12 =	vge.f32 v55, v5;
	v3 =	vmul.f32 v3, v2  }
0x11d: {  	s19 =	sor.u32 s9, s1;
	v61 =	vcvt.f32.s32 v60;
	vm10 =	vmand vm10, vm12;
	vm12 =	vgt.f32 v59, $2.000000030e-01  }
0x11e: {  	s30 =	sadd.s32 $0x1, s30;
	p0 =	slt.u32 s19, $0x4E20;
	vm10 =	vmand vm11, vm10;
	vm11 =	vmmov vm0;
	vm13 =	vge.f32 v4, v3  }
0x11f: {  	vm11 =	vmneg @p0 vm11;
	p0 =	sne.s32 s30, $0x8;
	vm12 =	vmand vm12, vm13;
	vm13 =	veq.s32 v61, $0x0  }
.Ltmp5:
0x120: {  	vm9 =	vmand vm9, vm10;
	vm10 =	vmand vm13, vm12;
	(pc) =	sbr.rel @p0 .LBB2_10-.Ltmp5, $4  }
0x121: {  	v3 =	vmax.f32 v8, v9;
	v62 =	vnsel vm9, $0xF149F2CA, v54;
	vm9 =	vmand vm11, vm10  }
0x122: {  	v3 =	vmax.f32 v3, v62;
	v63 =	vnsel vm9, $0xF149F2CA, v59  }
0x123: {  	v3 =	vmax.f32 v3, v63  }
0x124: {  	s29 =	sadd.s32 $0x80, s29;
	[tilespmem:s31+$0x3800] =	vst v3  }
0x125: {  	s28 =	simm.s32 $0x0  }
0x126: {  	[tilespmem:s28], [sflag:$0x1] =	stream.strided.gather [hbm4b:s14+s20], $0x1C00, s21, s20, $0x38;
	[tilespmem:$0x3C80] =	vst v63  }
0x127: {  	_ =	swait.ge [sflag:s24], $0x1C00  }
0x128: {  	[sflag:s24] =	ssyncset.done $0x0  }
0x129: {  	s29 =	simm.s32 $0x2800;
	s30 =	simm.s32 $0x0;
	[sflag:s24] =	ssyncadd.s32 $0xFFFFE400  }
.LBB2_14:
0x12a: {  	v3 =	vld [tilespmem:s29+$0xFFFFFC00]  }
0x12b: {  	v6 =	vld [tilespmem:s29+$0x0]  }
0x12c: {  	s0 =	smul.u32 $0x140, s30;
	v8 =	vld [tilespmem:s29+$0xFFFFF400]  }
0x12d: {  	v9 =	vld [tilespmem:s29+$0xFFFFF800]  }
0x12e: {  	s0 =	sshra.s32 s0, $0x2  }
0x12f: {  	v4 =	vld [tilespmem:s0+$0x3A00];
	v3 =	vmul.f32 v3, v1  }
0x130: {  	v5 =	vld [tilespmem:s0+$0x3A10];
	v10 =	vmul.f32 v6, v1  }
0x131: {  	v6 =	vld [tilespmem:s0+$0x3A20];
	v11 =	vsub.f32 v8, v3  }
0x132: {  	v7 =	vld [tilespmem:s0+$0x3A30];
	v12 =	vsub.f32 v9, v10;
	v8 =	vadd.f32 v3, v8  }
0x133: {  	v13 =	vld [tilespmem:s29+$0xC00];
	v9 =	vadd.f32 v10, v9;
	v11 =	vmul.f32 $6.400000000e+02, v11  }
0x134: {  	v3 =	vld [tilespmem:s0+$0x3A40];
	s0 =	sadd.s32 $0x10, s29;
	v10 =	vmul.f32 $6.400000000e+02, v12;
	v8 =	vmul.f32 $6.400000000e+02, v8  }
0x135: {  	v12 =	vld [tilespmem:s0+$0xFFFFFC00];
	v9 =	vmul.f32 $6.400000000e+02, v9  }
0x136: {  	v16 =	vld [tilespmem:s0+$0x0];
	v14 =	vmax.f32 v11, v4;
	v15 =	vmax.f32 v10, v5;
	v17 =	vmin.f32 v8, v6  }
0x137: {  	v19 =	vld [tilespmem:s0+$0xFFFFF400];
	v18 =	vmin.f32 v9, v7;
	v8 =	vsub.f32 v8, v11;
	v9 =	vsub.f32 v9, v10  }
0x138: {  	v10 =	vld [tilespmem:s0+$0xFFFFF800];
	v11 =	vsub.f32 v17, v14;
	v14 =	vsub.f32 v18, v15  }
0x139: {  	vm9 =	vmmov vm0;
	v8 =	vmul.f32 v9, v8  }
0x13a: {  	s1 =	sor.u32 s11, s28;
	v12 =	vmul.f32 v12, v1;
	v11 =	vmax.f32 v11, $0.0e+00;
	v14 =	vmax.f32 v14, $0.0e+00  }
0x13b: {  	p0 =	slt.u32 s1, $0x4E20;
	v9 =	vld [tilespmem:s29+$0x400];
	v15 =	vmul.f32 v16, v1;
	v11 =	vmul.f32 v14, v11;
	v8 =	vadd.f32 v8, v3  }
0x13c: {  	vm9 =	vmneg @p0 vm9;
	v13 =	vtrunc.f32 v13;
	v14 =	vsub.f32 v19, v12  }
0x13d: {  	v13 =	vcvt.f32.s32 v13;
	v16 =	vsub.f32 v10, v15;
	v17 =	vsub.f32 v8, v11  }
0x13e: {  	s3 =	sadd.s32 $0x10, s0;
	v10 =	vadd.f32 v15, v10;
	v18 =	vmul.f32 $6.400000000e+02, v14;
	v14 =	vadd.f32 v12, v19  }
0x13f: {  	s19 =	sshll.u32 s30, $0x6;
	vm11 =	veq.s32 v13, $0x0;
	v13 =	vld [tilespmem:s3+$0xFFFFF800];
	v16 =	vmul.f32 $6.400000000e+02, v16;
	v15 =	vmul.f32 v17, v2  }
0x140: {  	s31 =	sshrl.u32 s19, $0x2;
	vm10 =	vgt.f32 v9, $2.000000030e-01;
	v12 =	vld [tilespmem:s3+$0xFFFFFC00];
	v19 =	vmul.f32 $6.400000000e+02, v10;
	v17 =	vmul.f32 $6.400000000e+02, v14  }
0x141: {  	v8 =	vld [tilespmem:s31+$0x3800];
	v20 =	vmax.f32 v18, v4;
	v21 =	vmax.f32 v16, v5;
	vm12 =	vge.f32 v11, v15  }
0x142: {  	v10 =	vld [tilespmem:s0+$0xC00];
	v23 =	vmin.f32 v19, v7;
	v22 =	vmin.f32 v17, v6;
	vm10 =	vmand vm10, vm12  }
0x143: {  	v14 =	vld [tilespmem:s3+$0x0];
	v15 =	vsub.f32 v17, v18;
	v17 =	vsub.f32 v19, v16;
	vm10 =	vmand vm11, vm10  }
0x144: {  	s2 =	simm.s32 $0x10;
	s17 =	simm.s32 $0x30;
	s1 =	simm.s32 $0x20;
	v11 =	vld [tilespmem:s3+$0xFFFFF400];
	v16 =	vsub.f32 v23, v21;
	v18 =	vsub.f32 v22, v20;
	vm9 =	vmand vm9, vm10  }
.LBB2_15:
0x145: {  	v12 =	vmul.f32 v12, v1  }
0x146: {  	p0 =	sne.s32 s17, $0x70;
	v15 =	vmul.f32 v17, v15;
	v17 =	vnsel vm9, $0xF149F2CA, v9;
	vm9 =	vmmov vm0  }
0x147: {  	s19 =	sor.u32 s11, s2;
	s2 =	smov.u32 s1;
	v9 =	vld [tilespmem:s0+$0x400];
	v18 =	vmax.f32 v18, $0.0e+00;
	v16 =	vmax.f32 v16, $0.0e+00;
	v8 =	vmax.f32 v8, v17;
	s0 =	smov.u32 s3  }
0x148: {  	s1 =	smov.u32 s17;
	p1 =	slt.u32 s19, $0x4E20;
	v14 =	vmul.f32 v14, v1;
	v16 =	vmul.f32 v16, v18;
	v15 =	vadd.f32 v15, v3  }
0x149: {  	v10 =	vtrunc.f32 v10;
	vm9 =	vmneg @p1 vm9;
	v17 =	vsub.f32 v11, v12  }
0x14a: {  	v10 =	vcvt.f32.s32 v10;
	v18 =	vsub.f32 v13, v14;
	v15 =	vsub.f32 v15, v16  }
0x14b: {  	v11 =	vadd.f32 v12, v11;
	v13 =	vadd.f32 v14, v13;
	v17 =	vmul.f32 $6.400000000e+02, v17  }
0x14c: {  	s3 =	sadd.s32 $0x10, s3;
	v18 =	vmul.f32 $6.400000000e+02, v18;
	vm10 =	vgt.f32 v9, $2.000000030e-01;
	v14 =	vmul.f32 v15, v2  }
.Ltmp6:
0x14d: {  	vm11 =	veq.s32 v10, $0x0;
	v15 =	vmul.f32 $6.400000000e+02, v11;
	v13 =	vmul.f32 $6.400000000e+02, v13;
	v12 =	vld [tilespmem:s3+$0xFFFFFC00];
	(pc) =	sbr.rel @p0 .LBB2_15-.Ltmp6, $4  }
0x14e: {  	v19 =	vmax.f32 v17, v4;
	v10 =	vld [tilespmem:s0+$0xC00];
	v20 =	vmax.f32 v18, v5;
	vm12 =	vge.f32 v16, v14  }
0x14f: {  	v16 =	vmin.f32 v15, v6;
	v21 =	vmin.f32 v13, v7;
	v14 =	vld [tilespmem:s3+$0x0];
	vm10 =	vmand vm10, vm12  }
0x150: {  	v15 =	vsub.f32 v15, v17;
	v17 =	vsub.f32 v13, v18;
	v11 =	vld [tilespmem:s3+$0xFFFFF400];
	vm10 =	vmand vm11, vm10  }
0x151: {  	s17 =	sadd.s32 $0x10, s17;
	v18 =	vsub.f32 v16, v19;
	v16 =	vsub.f32 v21, v20;
	v13 =	vld [tilespmem:s3+$0xFFFFF800];
	vm9 =	vmand vm9, vm10  }
0x152: {  	_ = 	snop  }
0x153: {  	v12 =	vmul.f32 v12, v1  }
0x154: {  	v14 =	vmul.f32 v14, v1  }
0x155: {  	v19 =	vsub.f32 v11, v12;
	v48 =	vadd.f32 v12, v11  }
0x156: {  	v15 =	vmul.f32 v17, v15;
	v49 =	vsub.f32 v13, v14;
	v50 =	vadd.f32 v14, v13  }
0x157: {  	v51 =	vmul.f32 $6.400000000e+02, v19;
	v11 =	vmul.f32 $6.400000000e+02, v48  }
0x158: {  	v52 =	vmax.f32 v18, $0.0e+00;
	v12 =	vmul.f32 $6.400000000e+02, v49;
	v13 =	vmul.f32 $6.400000000e+02, v50  }
0x159: {  	v4 =	vmax.f32 v51, v4;
	v6 =	vmin.f32 v11, v6;
	v11 =	vsub.f32 v11, v51  }
0x15a: {  	v5 =	vmax.f32 v12, v5;
	v7 =	vmin.f32 v13, v7;
	v12 =	vsub.f32 v13, v12  }
0x15b: {  	v53 =	vmax.f32 v16, $0.0e+00;
	v4 =	vsub.f32 v6, v4;
	v5 =	vsub.f32 v7, v5  }
0x15c: {  	v54 =	vld [tilespmem:s0+$0x400];
	v55 =	vmul.f32 v53, v52;
	v56 =	vadd.f32 v15, v3;
	v11 =	vmul.f32 v12, v11  }
0x15d: {  	v57 =	vld [tilespmem:s3+$0xC00];
	v10 =	vtrunc.f32 v10;
	v4 =	vmax.f32 v4, $0.0e+00;
	v5 =	vmax.f32 v5, $0.0e+00  }
0x15e: {  	v59 =	vld [tilespmem:s3+$0x400];
	v58 =	vsub.f32 v56, v55;
	v4 =	vmul.f32 v5, v4;
	v3 =	vadd.f32 v11, v3  }
0x15f: {  	s17 =	sor.u32 s11, s2;
	v9 =	vnsel vm9, $0xF149F2CA, v9;
	v10 =	vcvt.f32.s32 v10  }
0x160: {  	vm9 =	vmmov vm0;
	p0 =	slt.u32 s17, $0x4E20;
	v5 =	vmul.f32 v58, v2;
	v3 =	vsub.f32 v3, v4  }
0x161: {  	vm9 =	vmneg @p0 vm9;
	vm11 =	veq.s32 v10, $0x0;
	vm10 =	vgt.f32 v54, $2.000000030e-01  }
0x162: {  	v60 =	vtrunc.f32 v57;
	vm12 =	vge.f32 v55, v5;
	v3 =	vmul.f32 v3, v2  }
0x163: {  	s19 =	sor.u32 s11, s1;
	v61 =	vcvt.f32.s32 v60;
	vm10 =	vmand vm10, vm12;
	vm12 =	vgt.f32 v59, $2.000000030e-01  }
0x164: {  	s30 =	sadd.s32 $0x1, s30;
	p0 =	slt.u32 s19, $0x4E20;
	vm10 =	vmand vm11, vm10;
	vm11 =	vmmov vm0;
	vm13 =	vge.f32 v4, v3  }
0x165: {  	vm11 =	vmneg @p0 vm11;
	p0 =	sne.s32 s30, $0x8;
	vm12 =	vmand vm12, vm13;
	vm13 =	veq.s32 v61, $0x0  }
.Ltmp7:
0x166: {  	vm9 =	vmand vm9, vm10;
	vm10 =	vmand vm13, vm12;
	(pc) =	sbr.rel @p0 .LBB2_14-.Ltmp7, $4  }
0x167: {  	v3 =	vmax.f32 v8, v9;
	v62 =	vnsel vm9, $0xF149F2CA, v54;
	vm9 =	vmand vm11, vm10  }
0x168: {  	v3 =	vmax.f32 v3, v62;
	v63 =	vnsel vm9, $0xF149F2CA, v59  }
0x169: {  	v3 =	vmax.f32 v3, v63  }
0x16a: {  	s29 =	sadd.s32 $0x80, s29;
	[tilespmem:s31+$0x3800] =	vst v3  }
0x16b: {  	_ =	swait.ge [sflag:s23], $0x1C00  }
0x16c: {  	s28 =	simm.s32 $0x0;
	[sflag:s23] =	ssyncset.done $0x0  }
0x16d: {  	s29 =	simm.s32 $0xC00;
	s30 =	simm.s32 $0x0;
	[sflag:s23] =	ssyncadd.s32 $0xFFFFE400  }
.LBB2_18:
0x16e: {  	v3 =	vld [tilespmem:s29+$0xFFFFFC00]  }
0x16f: {  	v6 =	vld [tilespmem:s29+$0x0]  }
0x170: {  	s0 =	smul.u32 $0x140, s30;
	v8 =	vld [tilespmem:s29+$0xFFFFF400]  }
0x171: {  	v9 =	vld [tilespmem:s29+$0xFFFFF800]  }
0x172: {  	s0 =	sshra.s32 s0, $0x2  }
0x173: {  	v4 =	vld [tilespmem:s0+$0x3A00];
	v3 =	vmul.f32 v3, v1  }
0x174: {  	v5 =	vld [tilespmem:s0+$0x3A10];
	v10 =	vmul.f32 v6, v1  }
0x175: {  	v6 =	vld [tilespmem:s0+$0x3A20];
	v11 =	vsub.f32 v8, v3  }
0x176: {  	v7 =	vld [tilespmem:s0+$0x3A30];
	v12 =	vsub.f32 v9, v10;
	v8 =	vadd.f32 v3, v8  }
0x177: {  	v13 =	vld [tilespmem:s29+$0xC00];
	v9 =	vadd.f32 v10, v9;
	v11 =	vmul.f32 $6.400000000e+02, v11  }
0x178: {  	v3 =	vld [tilespmem:s0+$0x3A40];
	s0 =	sadd.s32 $0x10, s29;
	v10 =	vmul.f32 $6.400000000e+02, v12;
	v8 =	vmul.f32 $6.400000000e+02, v8  }
0x179: {  	v12 =	vld [tilespmem:s0+$0xFFFFFC00];
	v9 =	vmul.f32 $6.400000000e+02, v9  }
0x17a: {  	v16 =	vld [tilespmem:s0+$0x0];
	v14 =	vmax.f32 v11, v4;
	v15 =	vmax.f32 v10, v5;
	v17 =	vmin.f32 v8, v6  }
0x17b: {  	v19 =	vld [tilespmem:s0+$0xFFFFF400];
	v18 =	vmin.f32 v9, v7;
	v8 =	vsub.f32 v8, v11;
	v9 =	vsub.f32 v9, v10  }
0x17c: {  	v10 =	vld [tilespmem:s0+$0xFFFFF800];
	v11 =	vsub.f32 v17, v14;
	v14 =	vsub.f32 v18, v15  }
0x17d: {  	vm9 =	vmmov vm0;
	v8 =	vmul.f32 v9, v8  }
0x17e: {  	s1 =	sor.u32 s13, s28;
	v12 =	vmul.f32 v12, v1;
	v11 =	vmax.f32 v11, $0.0e+00;
	v14 =	vmax.f32 v14, $0.0e+00  }
0x17f: {  	p0 =	slt.u32 s1, $0x4E20;
	v9 =	vld [tilespmem:s29+$0x400];
	v15 =	vmul.f32 v16, v1;
	v11 =	vmul.f32 v14, v11;
	v8 =	vadd.f32 v8, v3  }
0x180: {  	vm9 =	vmneg @p0 vm9;
	v13 =	vtrunc.f32 v13;
	v14 =	vsub.f32 v19, v12  }
0x181: {  	v13 =	vcvt.f32.s32 v13;
	v16 =	vsub.f32 v10, v15;
	v17 =	vsub.f32 v8, v11  }
0x182: {  	s3 =	sadd.s32 $0x10, s0;
	v10 =	vadd.f32 v15, v10;
	v18 =	vmul.f32 $6.400000000e+02, v14;
	v14 =	vadd.f32 v12, v19  }
0x183: {  	s19 =	sshll.u32 s30, $0x6;
	vm11 =	veq.s32 v13, $0x0;
	v13 =	vld [tilespmem:s3+$0xFFFFF800];
	v16 =	vmul.f32 $6.400000000e+02, v16;
	v15 =	vmul.f32 v17, v2  }
0x184: {  	s31 =	sshrl.u32 s19, $0x2;
	vm10 =	vgt.f32 v9, $2.000000030e-01;
	v12 =	vld [tilespmem:s3+$0xFFFFFC00];
	v19 =	vmul.f32 $6.400000000e+02, v10;
	v17 =	vmul.f32 $6.400000000e+02, v14  }
0x185: {  	v8 =	vld [tilespmem:s31+$0x3800];
	v20 =	vmax.f32 v18, v4;
	v21 =	vmax.f32 v16, v5;
	vm12 =	vge.f32 v11, v15  }
0x186: {  	v10 =	vld [tilespmem:s0+$0xC00];
	v23 =	vmin.f32 v19, v7;
	v22 =	vmin.f32 v17, v6;
	vm10 =	vmand vm10, vm12  }
0x187: {  	v14 =	vld [tilespmem:s3+$0x0];
	v15 =	vsub.f32 v17, v18;
	v17 =	vsub.f32 v19, v16;
	vm10 =	vmand vm11, vm10  }
0x188: {  	s2 =	simm.s32 $0x10;
	s17 =	simm.s32 $0x30;
	s1 =	simm.s32 $0x20;
	v11 =	vld [tilespmem:s3+$0xFFFFF400];
	v16 =	vsub.f32 v23, v21;
	v18 =	vsub.f32 v22, v20;
	vm9 =	vmand vm9, vm10  }
.LBB2_19:
0x189: {  	v12 =	vmul.f32 v12, v1  }
0x18a: {  	p0 =	sne.s32 s17, $0x70;
	v15 =	vmul.f32 v17, v15;
	v17 =	vnsel vm9, $0xF149F2CA, v9;
	vm9 =	vmmov vm0  }
0x18b: {  	s19 =	sor.u32 s13, s2;
	s2 =	smov.u32 s1;
	v9 =	vld [tilespmem:s0+$0x400];
	v18 =	vmax.f32 v18, $0.0e+00;
	v16 =	vmax.f32 v16, $0.0e+00;
	v8 =	vmax.f32 v8, v17;
	s0 =	smov.u32 s3  }
0x18c: {  	s1 =	smov.u32 s17;
	p1 =	slt.u32 s19, $0x4E20;
	v14 =	vmul.f32 v14, v1;
	v16 =	vmul.f32 v16, v18;
	v15 =	vadd.f32 v15, v3  }
0x18d: {  	v10 =	vtrunc.f32 v10;
	vm9 =	vmneg @p1 vm9;
	v17 =	vsub.f32 v11, v12  }
0x18e: {  	v10 =	vcvt.f32.s32 v10;
	v18 =	vsub.f32 v13, v14;
	v15 =	vsub.f32 v15, v16  }
0x18f: {  	v11 =	vadd.f32 v12, v11;
	v13 =	vadd.f32 v14, v13;
	v17 =	vmul.f32 $6.400000000e+02, v17  }
0x190: {  	s3 =	sadd.s32 $0x10, s3;
	v18 =	vmul.f32 $6.400000000e+02, v18;
	vm10 =	vgt.f32 v9, $2.000000030e-01;
	v14 =	vmul.f32 v15, v2  }
.Ltmp8:
0x191: {  	vm11 =	veq.s32 v10, $0x0;
	v15 =	vmul.f32 $6.400000000e+02, v11;
	v13 =	vmul.f32 $6.400000000e+02, v13;
	v12 =	vld [tilespmem:s3+$0xFFFFFC00];
	(pc) =	sbr.rel @p0 .LBB2_19-.Ltmp8, $4  }
0x192: {  	v19 =	vmax.f32 v17, v4;
	v10 =	vld [tilespmem:s0+$0xC00];
	v20 =	vmax.f32 v18, v5;
	vm12 =	vge.f32 v16, v14  }
0x193: {  	v16 =	vmin.f32 v15, v6;
	v21 =	vmin.f32 v13, v7;
	v14 =	vld [tilespmem:s3+$0x0];
	vm10 =	vmand vm10, vm12  }
0x194: {  	v15 =	vsub.f32 v15, v17;
	v17 =	vsub.f32 v13, v18;
	v11 =	vld [tilespmem:s3+$0xFFFFF400];
	vm10 =	vmand vm11, vm10  }
0x195: {  	s17 =	sadd.s32 $0x10, s17;
	v18 =	vsub.f32 v16, v19;
	v16 =	vsub.f32 v21, v20;
	v13 =	vld [tilespmem:s3+$0xFFFFF800];
	vm9 =	vmand vm9, vm10  }
0x196: {  	_ = 	snop  }
0x197: {  	v12 =	vmul.f32 v12, v1  }
0x198: {  	v14 =	vmul.f32 v14, v1  }
0x199: {  	v19 =	vsub.f32 v11, v12;
	v48 =	vadd.f32 v12, v11  }
0x19a: {  	v15 =	vmul.f32 v17, v15;
	v49 =	vsub.f32 v13, v14;
	v50 =	vadd.f32 v14, v13  }
0x19b: {  	v51 =	vmul.f32 $6.400000000e+02, v19;
	v11 =	vmul.f32 $6.400000000e+02, v48  }
0x19c: {  	v52 =	vmax.f32 v18, $0.0e+00;
	v12 =	vmul.f32 $6.400000000e+02, v49;
	v13 =	vmul.f32 $6.400000000e+02, v50  }
0x19d: {  	v4 =	vmax.f32 v51, v4;
	v6 =	vmin.f32 v11, v6;
	v11 =	vsub.f32 v11, v51  }
0x19e: {  	v5 =	vmax.f32 v12, v5;
	v7 =	vmin.f32 v13, v7;
	v12 =	vsub.f32 v13, v12  }
0x19f: {  	v53 =	vmax.f32 v16, $0.0e+00;
	v4 =	vsub.f32 v6, v4;
	v5 =	vsub.f32 v7, v5  }
0x1a0: {  	v54 =	vld [tilespmem:s0+$0x400];
	v55 =	vmul.f32 v53, v52;
	v56 =	vadd.f32 v15, v3;
	v11 =	vmul.f32 v12, v11  }
0x1a1: {  	v57 =	vld [tilespmem:s3+$0xC00];
	v10 =	vtrunc.f32 v10;
	v4 =	vmax.f32 v4, $0.0e+00;
	v5 =	vmax.f32 v5, $0.0e+00  }
0x1a2: {  	v59 =	vld [tilespmem:s3+$0x400];
	v58 =	vsub.f32 v56, v55;
	v4 =	vmul.f32 v5, v4;
	v3 =	vadd.f32 v11, v3  }
0x1a3: {  	s17 =	sor.u32 s13, s2;
	v9 =	vnsel vm9, $0xF149F2CA, v9;
	v10 =	vcvt.f32.s32 v10  }
0x1a4: {  	vm9 =	vmmov vm0;
	p0 =	slt.u32 s17, $0x4E20;
	v5 =	vmul.f32 v58, v2;
	v3 =	vsub.f32 v3, v4  }
0x1a5: {  	vm9 =	vmneg @p0 vm9;
	vm11 =	veq.s32 v10, $0x0;
	vm10 =	vgt.f32 v54, $2.000000030e-01  }
0x1a6: {  	v60 =	vtrunc.f32 v57;
	vm12 =	vge.f32 v55, v5;
	v3 =	vmul.f32 v3, v2  }
0x1a7: {  	s19 =	sor.u32 s13, s1;
	v61 =	vcvt.f32.s32 v60;
	vm10 =	vmand vm10, vm12;
	vm12 =	vgt.f32 v59, $2.000000030e-01  }
0x1a8: {  	s30 =	sadd.s32 $0x1, s30;
	p0 =	slt.u32 s19, $0x4E20;
	vm10 =	vmand vm11, vm10;
	vm11 =	vmmov vm0;
	vm13 =	vge.f32 v4, v3  }
0x1a9: {  	vm11 =	vmneg @p0 vm11;
	p0 =	sne.s32 s30, $0x8;
	vm12 =	vmand vm12, vm13;
	vm13 =	veq.s32 v61, $0x0  }
.Ltmp9:
0x1aa: {  	vm9 =	vmand vm9, vm10;
	vm10 =	vmand vm13, vm12;
	(pc) =	sbr.rel @p0 .LBB2_18-.Ltmp9, $4  }
0x1ab: {  	v3 =	vmax.f32 v8, v9;
	v62 =	vnsel vm9, $0xF149F2CA, v54;
	vm9 =	vmand vm11, vm10  }
0x1ac: {  	v3 =	vmax.f32 v3, v62;
	v63 =	vnsel vm9, $0xF149F2CA, v59  }
0x1ad: {  	v3 =	vmax.f32 v3, v63  }
0x1ae: {  	s29 =	sadd.s32 $0x80, s29;
	[tilespmem:s31+$0x3800] =	vst v3  }
0x1af: {  	v2 =	vld [tilespmem:$0x3800]  }
0x1b0: {  	v3 =	vld [tilespmem:$0x3810]  }
0x1b1: {  	v4 =	vld [tilespmem:$0x3820]  }
0x1b2: {  	v5 =	vld [tilespmem:$0x3830]  }
0x1b3: {  	v6 =	vld [tilespmem:$0x3840]  }
0x1b4: {  	(xrf0) =	vmax.scan.msk.f32 $0xffff, v2;
	v2 =	vld [tilespmem:$0x3850]  }
0x1b5: {  	(xrf0) =	vmax.scan.msk.f32 $0xffff, v3;
	v3 =	vld [tilespmem:$0x3860]  }
0x1b6: {  	v57 =	vld [tilespmem:$0x3870];
	(xrf0) =	vmax.scan.msk.f32 $0xffff, v4  }
0x1b7: {  	(xrf0) =	vmax.scan.msk.f32 $0xffff, v5  }
0x1b8: {  	(xrf0) =	vmax.scan.msk.f32 $0xffff, v6  }
0x1b9: {  	(xrf0) =	vmax.scan.msk.f32 $0xffff, v2  }
0x1ba: {  	v2, _, _ =	vpop (xrf0);
	(xrf0) =	vmax.scan.msk.f32 $0xffff, v3  }
0x1bb: {  	v2 =	vbroadcast v2, $0xF;
	v3, _, _ =	vpop (xrf0);
	(xrf0) =	vmax.scan.msk.f32 $0xffff, v57  }
0x1bc: {  	v58, _, _ =	vpop (xrf0);
	v3 =	vbroadcast v3, $0xF  }
0x1bd: {  	v5, _, _ =	vpop (xrf0);
	v2 =	vnsel vm1, $0xF149F2CA, v2;
	v4 =	vbroadcast v58, $0xF  }
0x1be: {  	v6, _, _ =	vpop (xrf0);
	v2 =	vsel vm2, v2, v3;
	v3 =	vbroadcast v5, $0xF  }
0x1bf: {  	v59, _, _ =	vpop (xrf0);
	v2 =	vsel vm3, v2, v4;
	v60 =	vbroadcast v6, $0xF  }
0x1c0: {  	v61, _, _ =	vpop (xrf0);
	v2 =	vsel vm4, v2, v3;
	v3 =	vbroadcast v59, $0xF  }
0x1c1: {  	v2 =	vsel vm5, v2, v60;
	v62 =	vbroadcast v61, $0xF;
	v63, _, _ =	vpop (xrf0)  }
0x1c2: {  	v2 =	vsel vm6, v2, v3;
	v3 =	vbroadcast v63, $0xF  }
0x1c3: {  	s26 =	sadd.s32 $0x1, s26;
	v2 =	vsel vm7, v2, v62  }
0x1c4: {  	p0 =	sne.s32 s26, s16;
	v2 =	vsel vm8, v2, v3  }
.Ltmp10:
0x1c5: {  	[tilespmem:$0x3880] =	vst v2;
	(pc) =	sbr.rel @p0 .LBB2_1-.Ltmp10, $4  }
0x1c6: {  	[hbm4b:s15+s4] =	stream.linear.scatter [tilespmem:s25], [sflag:$0x3], $0x80, $0x38;
	[tilespmem:$0x3C80] =	vst v63  }
0x1c7: {  	_ =	swait.ge [sflag:s18], $0x80  }
0x1c8: {  	[sflag:s18] =	ssyncset.done $0x0  }
0x1c9: {  	[sflag:s18] =	ssyncadd.s32 $0xFFFFFF80  }
0x1ca: {  	_ =	sfence.sel $0x180000  }
0x1cb: {  	[bflag:$0x0] =	sbarrier.arrive $0xFFFF  }
0x1cc: {  	_ =	strace $0x90000047  }
0x1cd: {  	s0 =	stileid.u32;
	[bflag:$0x2] =	sbarrier.arrive $0xFFFF  }
0x1ce: {  	p0 =	sne.s32 s0, $0x0;
	s0 =	rddreg [dreg:$0x4]  }
0x1cf: {  	s0 =	sadd.s32 @!p0 $0x100000, s0  }
0x1d0: {  	[sflag:s0] =	ssyncadd.tile.s32 @!p0 $0x1;
	_ =	shalt  }
.Lfunc_end2:
_tile_overlayer_lowered:
.L_overlay_start_2:
0x1d1: {  	(tag) =	ssettag $0x2  }
0x1d2: {  	s0 =	rddreg [dreg:$0x0];
	s2 =	stileid.u32  }
0x1d3: {  	s1 =	rddreg [dreg:$0x1];
	p0 =	sne.s32 s2, $0x0  }
0x1d4: {  	s3 =	rddreg [dreg:$0x2];
	[bflag:$0x3] =	sbarrier.arrive $0xFFFF;
	s2 =	simm.s32 @!p0 $0x1C03  }
0x1d5: {  	[timem:s3], [sflag:s2] =	dma.local @!p0 [hbm:s0], s1  }
0x1d6: {  	s0 =	simm.s32 @!p0 $0x3  }
0x1d7: {  	_ =	swait.ge @!p0 [sflag:s0], s1  }
0x1d8: {  	s1 =	ssub.s32 @!p0 $0x0, s1;
	[sflag:s0] =	ssyncset.done @!p0 $0x0  }
0x1d9: {  	[sflag:s0] =	ssyncadd.s32 @!p0 s1  }
0x1da: {  	[bflag:$0x3] =	sbarrier.arrive $0xFFFF  }
0x1db: {  	_ =	shalt  }

</sc_bundles>
